<compile_context>
chip_gen: v7x
topology: tpu7x:2x2x1
jax: 0.10.2.dev20260603
libtpu: 0.0.44.dev20260713+nightly
codegen_flags: <defaults>
</compile_context>

<pallas_src>
import functools

import jax
import jax.numpy as jnp
from jax import lax
from jax.experimental import pallas as pl
from jax.experimental.pallas import tpu as pltpu
from jax.experimental.pallas import tpu_sc as plsc

_NUM_CORES = 2
_NUM_SUBCORES = 16
_NUM_WORKERS = _NUM_CORES * _NUM_SUBCORES
_LANES = 16


def _embedding_lookup_t(xt, wt):
    s_len, b_len = xt.shape
    d_len, v_len = wt.shape
    d_per_w = d_len // _NUM_WORKERS
    mesh = plsc.VectorSubcoreMesh(core_axis_name="c", subcore_axis_name="s")

    @functools.partial(
        pl.kernel,
        mesh=mesh,
        out_type=jax.ShapeDtypeStruct((s_len, d_len, b_len), jnp.float32),
        scratch_types=[
            pltpu.VMEM((v_len,), jnp.float32),
            pltpu.VMEM((2, b_len), jnp.int32),
            pltpu.VMEM((2, b_len), jnp.float32),
            pltpu.VMEM_SHARED((s_len * b_len,), jnp.int32),
            pltpu.SemaphoreType.DMA((2,)),
            pltpu.SemaphoreType.DMA((2,)),
            pltpu.SemaphoreType.DMA,
        ],
        compiler_params=pltpu.CompilerParams(
            use_tc_tiling_on_sc=True, needs_layout_passes=False
        ),
    )
    def k(
        xt_hbm, wt_hbm, out_hbm, wrow_v, idx_v, outbuf_v, xt_sp, isem, osem, wsem
    ):
        ss = lax.axis_index("s")
        wid = ss * _NUM_CORES + lax.axis_index("c")

        wt_first = pltpu.make_async_copy(
            wt_hbm.at[wid * d_per_w], wrow_v, wsem
        )
        wt_first.start()

        for r in range((s_len + _NUM_SUBCORES - 1) // _NUM_SUBCORES):
            s_row = ss + _NUM_SUBCORES * r

            @pl.when(s_row < s_len)
            def _stage():
                pltpu.sync_copy(
                    xt_hbm.at[s_row], xt_sp.at[pl.ds(s_row * b_len, b_len)]
                )

        plsc.subcore_barrier()

        wt_pending = wt_first
        for p in range(d_per_w):
            d = wid * d_per_w + p
            wt_pending.wait()
            pltpu.make_async_copy(
                xt_sp.at[pl.ds(0, b_len)], idx_v.at[0], isem.at[0]
            ).start()

            def body(s, carry):
                b = lax.rem(s, 2)

                @pl.when(s + 1 < s_len)
                def _prefetch():
                    nb = lax.rem(s + 1, 2)
                    pltpu.make_async_copy(
                        xt_sp.at[pl.ds((s + 1) * b_len, b_len)],
                        idx_v.at[nb],
                        isem.at[nb],
                    ).start()

                pltpu.make_async_copy(
                    xt_sp.at[pl.ds(s * b_len, b_len)], idx_v.at[b], isem.at[b]
                ).wait()

                @pl.when(s >= 2)
                def _drain():
                    pltpu.make_async_copy(
                        outbuf_v.at[b], out_hbm.at[s - 2, d], osem.at[b]
                    ).wait()

                @plsc.parallel_loop(0, b_len, step=_LANES, unroll=32)
                def _gather(i):
                    ids = idx_v[b, pl.ds(i, _LANES)]
                    outbuf_v[b, pl.ds(i, _LANES)] = plsc.load_gather(
                        wrow_v, [ids]
                    )

                pltpu.make_async_copy(
                    outbuf_v.at[b], out_hbm.at[s, d], osem.at[b]
                ).start()
                return carry

            lax.fori_loop(0, s_len, body, 0)
            if p + 1 < d_per_w:
                wt_pending = pltpu.make_async_copy(
                    wt_hbm.at[d + 1], wrow_v, wsem
                )
                wt_pending.start()
            for t in (s_len - 2, s_len - 1):
                pltpu.make_async_copy(
                    outbuf_v.at[t % 2], out_hbm.at[t, d], osem.at[t % 2]
                ).wait()

    return k(xt, wt)


def kernel(x, weight):
    b, s = x.shape
    out_t = _embedding_lookup_t(x.T.astype(jnp.int32), weight.T)
    return jnp.transpose(out_t, (2, 0, 1))

# --- scband reference (transcript-rebuilt; emitter-appended) ---
"""Pipeline reference for scband-custom-embedding-21715354648987 (READ-ONLY COPY).

The authoritative reference and input builder live on the scoring server;
editing this copy changes nothing except your own understanding.
"""

import jax, jax.numpy as jnp
import numpy as np

NUM_EMBEDDINGS = 100000
EMBEDDING_DIM = 64

def setup_inputs(seed: int = 0) -> dict:
    key = jax.random.key(seed)
    k_x, k_w = jax.random.split(key)
    x = jax.random.randint(k_x, (4096, 50), 0, NUM_EMBEDDINGS, dtype=jnp.int64 if jax.config.jax_enable_x64 else jnp.int32)
    # trunc_normal_(mean=0, std=1, a=-3, b=3)
    weight = jax.random.truncated_normal(k_w, -3.0, 3.0, (NUM_EMBEDDINGS, EMBEDDING_DIM), dtype=jnp.float32)
    return {"x": x, "weight": weight}

def reference(x, weight):
    # self.weight[x] -> gather rows of the embedding table
    return jnp.take(weight, x, axis=0)

if __name__ == "__main__":
    import jax
    _d = setup_inputs()
    print(jax.jit(kernel)(*tuple(_d.values())))

</pallas_src>

<mosaic_0001>
#map = affine_map<(d0, d1) -> (0, 0)>
#map1 = affine_map<(d0, d1) -> (0, 0, 0)>
module attributes {stable_mosaic.version = 14 : i64} {
  func.func @k(%arg0: i32, %arg1: i32, %arg2: memref<50x4096xi32, #tpu.memory_space<hbm>>, %arg3: memref<64x100000xf32, #tpu.memory_space<hbm>>, %arg4: memref<50x64x4096xf32, #tpu.memory_space<hbm>>, %arg5: memref<100000xf32, #tpu.memory_space<vmem>>, %arg6: memref<2x4096xi32, #tpu.memory_space<vmem>>, %arg7: memref<2x4096xf32, #tpu.memory_space<vmem>>, %arg8: memref<204800xi32, #tpu.memory_space<vmem_shared>>, %arg9: memref<2x!tpu.dma_semaphore, #tpu.memory_space<semaphore_mem>>, %arg10: memref<2x!tpu.dma_semaphore, #tpu.memory_space<semaphore_mem>>, %arg11: memref<!tpu.dma_semaphore, #tpu.memory_space<semaphore_mem>>) attributes {dimension_semantics = [#tpu.dimension_semantics<core_parallel>, #tpu.dimension_semantics<subcore_parallel>], iteration_bounds = array<i64: 2, 16>, scalar_prefetch = 0 : i64, scratch_operands = 7 : i64, tpu.core_type = #tpu.core_type<sc_vector_subcore>, window_params = [{transform_indices = #map}, {transform_indices = #map}, {transform_indices = #map1}]} {
    %mul3A = arith.constant 2 : i32
    %mul3A_0 = arith.muli %arg1, %mul3A : i32
    %add3A = arith.addi %mul3A_0, %arg0 : i32
    %mul3A_1 = arith.constant 2 : i32
    %mul3A_2 = arith.muli %add3A, %mul3A_1 : i32
    %dma_start3A = arith.constant 0 : i32
    %dma_start3A_3 = tpu.memref_slice %arg3[%mul3A_2, %dma_start3A] : memref<64x100000xf32, #tpu.memory_space<hbm>> -> memref<1x100000xf32, #tpu.memory_space<hbm>>
    %dma_start3A_4 = tpu.memref_squeeze %dma_start3A_3 : memref<1x100000xf32, #tpu.memory_space<hbm>> -> memref<100000xf32, #tpu.memory_space<hbm>>
    %dma_start3A_5 = arith.constant 0 : i32
    %dma_start3A_6 = tpu.memref_slice %arg3[%mul3A_2, %dma_start3A_5] : memref<64x100000xf32, #tpu.memory_space<hbm>> -> memref<1x100000xf32, #tpu.memory_space<hbm>>
    %dma_start3A_7 = tpu.memref_squeeze %dma_start3A_6 : memref<1x100000xf32, #tpu.memory_space<hbm>> -> memref<100000xf32, #tpu.memory_space<hbm>>
    tpu.enqueue_dma source(%dma_start3A_7 : memref<100000xf32, #tpu.memory_space<hbm>>) target(%arg5 : memref<100000xf32, #tpu.memory_space<vmem>>) target_semaphore(%arg11 : memref<!tpu.dma_semaphore, #tpu.memory_space<semaphore_mem>>)
    %add3A_8 = arith.constant 0 : i32
    %add3A_9 = arith.addi %arg1, %add3A_8 : i32
    %lt3A = arith.constant 50 : i32
    %lt3A_10 = arith.cmpi slt, %add3A_9, %lt3A : i32
    %convert_element_type3A = arith.extui %lt3A_10 : i1 to i32
    %cond3A = arith.constant 0 : i32
    %cond3A_11 = arith.cmpi ne, %convert_element_type3A, %cond3A : i32
    scf.if %cond3A_11 {
      %mul3A_167 = arith.constant 4096 : i32
      %mul3A_168 = arith.muli %add3A_9, %mul3A_167 : i32
      "tpu.region"() ({
        %run_scoped3A = tpu.sem_alloc : memref<!tpu.dma_semaphore, #tpu.memory_space<semaphore_mem>>
        %dma_start3A_169 = tpu.memref_slice %arg8[%mul3A_168] : memref<204800xi32, #tpu.memory_space<vmem_shared>> -> memref<4096xi32, #tpu.memory_space<vmem_shared>>
        %dma_start3A_170 = arith.constant 0 : i32
        %dma_start3A_171 = tpu.memref_slice %arg2[%add3A_9, %dma_start3A_170] : memref<50x4096xi32, #tpu.memory_space<hbm>> -> memref<1x4096xi32, #tpu.memory_space<hbm>>
        %dma_start3A_172 = tpu.memref_squeeze %dma_start3A_171 : memref<1x4096xi32, #tpu.memory_space<hbm>> -> memref<4096xi32, #tpu.memory_space<hbm>>
        tpu.enqueue_dma source(%dma_start3A_172 : memref<4096xi32, #tpu.memory_space<hbm>>) target(%dma_start3A_169 : memref<4096xi32, #tpu.memory_space<vmem_shared>>) target_semaphore(%run_scoped3A : memref<!tpu.dma_semaphore, #tpu.memory_space<semaphore_mem>>)
        %dma_wait3A_173 = tpu.memref_slice %arg8[%mul3A_168] : memref<204800xi32, #tpu.memory_space<vmem_shared>> -> memref<4096xi32, #tpu.memory_space<vmem_shared>>
        %dma_wait3A_174 = arith.constant 0 : i32
        %dma_wait3A_175 = tpu.memref_slice %arg2[%add3A_9, %dma_wait3A_174] : memref<50x4096xi32, #tpu.memory_space<hbm>> -> memref<1x4096xi32, #tpu.memory_space<hbm>>
        %dma_wait3A_176 = tpu.memref_squeeze %dma_wait3A_175 : memref<1x4096xi32, #tpu.memory_space<hbm>> -> memref<4096xi32, #tpu.memory_space<hbm>>
        tpu.wait_dma2 semaphore(%run_scoped3A : memref<!tpu.dma_semaphore, #tpu.memory_space<semaphore_mem>>) src(%dma_wait3A_176 : memref<4096xi32, #tpu.memory_space<hbm>>) dst(%dma_wait3A_173 : memref<4096xi32, #tpu.memory_space<vmem_shared>>)
        tpu.yield
      }) : () -> ()
    } else {
    }
    %add3A_12 = arith.constant 16 : i32
    %add3A_13 = arith.addi %arg1, %add3A_12 : i32
    %lt3A_14 = arith.constant 50 : i32
    %lt3A_15 = arith.cmpi slt, %add3A_13, %lt3A_14 : i32
    %convert_element_type3A_16 = arith.extui %lt3A_15 : i1 to i32
    %cond3A_17 = arith.constant 0 : i32
    %cond3A_18 = arith.cmpi ne, %convert_element_type3A_16, %cond3A_17 : i32
    scf.if %cond3A_18 {
      %mul3A_167 = arith.constant 4096 : i32
      %mul3A_168 = arith.muli %add3A_13, %mul3A_167 : i32
      "tpu.region"() ({
        %run_scoped3A = tpu.sem_alloc : memref<!tpu.dma_semaphore, #tpu.memory_space<semaphore_mem>>
        %dma_start3A_169 = tpu.memref_slice %arg8[%mul3A_168] : memref<204800xi32, #tpu.memory_space<vmem_shared>> -> memref<4096xi32, #tpu.memory_space<vmem_shared>>
        %dma_start3A_170 = arith.constant 0 : i32
        %dma_start3A_171 = tpu.memref_slice %arg2[%add3A_13, %dma_start3A_170] : memref<50x4096xi32, #tpu.memory_space<hbm>> -> memref<1x4096xi32, #tpu.memory_space<hbm>>
        %dma_start3A_172 = tpu.memref_squeeze %dma_start3A_171 : memref<1x4096xi32, #tpu.memory_space<hbm>> -> memref<4096xi32, #tpu.memory_space<hbm>>
        tpu.enqueue_dma source(%dma_start3A_172 : memref<4096xi32, #tpu.memory_space<hbm>>) target(%dma_start3A_169 : memref<4096xi32, #tpu.memory_space<vmem_shared>>) target_semaphore(%run_scoped3A : memref<!tpu.dma_semaphore, #tpu.memory_space<semaphore_mem>>)
        %dma_wait3A_173 = tpu.memref_slice %arg8[%mul3A_168] : memref<204800xi32, #tpu.memory_space<vmem_shared>> -> memref<4096xi32, #tpu.memory_space<vmem_shared>>
        %dma_wait3A_174 = arith.constant 0 : i32
        %dma_wait3A_175 = tpu.memref_slice %arg2[%add3A_13, %dma_wait3A_174] : memref<50x4096xi32, #tpu.memory_space<hbm>> -> memref<1x4096xi32, #tpu.memory_space<hbm>>
        %dma_wait3A_176 = tpu.memref_squeeze %dma_wait3A_175 : memref<1x4096xi32, #tpu.memory_space<hbm>> -> memref<4096xi32, #tpu.memory_space<hbm>>
        tpu.wait_dma2 semaphore(%run_scoped3A : memref<!tpu.dma_semaphore, #tpu.memory_space<semaphore_mem>>) src(%dma_wait3A_176 : memref<4096xi32, #tpu.memory_space<hbm>>) dst(%dma_wait3A_173 : memref<4096xi32, #tpu.memory_space<vmem_shared>>)
        tpu.yield
      }) : () -> ()
    } else {
    }
    %add3A_19 = arith.constant 32 : i32
    %add3A_20 = arith.addi %arg1, %add3A_19 : i32
    %lt3A_21 = arith.constant 50 : i32
    %lt3A_22 = arith.cmpi slt, %add3A_20, %lt3A_21 : i32
    %convert_element_type3A_23 = arith.extui %lt3A_22 : i1 to i32
    %cond3A_24 = arith.constant 0 : i32
    %cond3A_25 = arith.cmpi ne, %convert_element_type3A_23, %cond3A_24 : i32
    scf.if %cond3A_25 {
      %mul3A_167 = arith.constant 4096 : i32
      %mul3A_168 = arith.muli %add3A_20, %mul3A_167 : i32
      "tpu.region"() ({
        %run_scoped3A = tpu.sem_alloc : memref<!tpu.dma_semaphore, #tpu.memory_space<semaphore_mem>>
        %dma_start3A_169 = tpu.memref_slice %arg8[%mul3A_168] : memref<204800xi32, #tpu.memory_space<vmem_shared>> -> memref<4096xi32, #tpu.memory_space<vmem_shared>>
        %dma_start3A_170 = arith.constant 0 : i32
        %dma_start3A_171 = tpu.memref_slice %arg2[%add3A_20, %dma_start3A_170] : memref<50x4096xi32, #tpu.memory_space<hbm>> -> memref<1x4096xi32, #tpu.memory_space<hbm>>
        %dma_start3A_172 = tpu.memref_squeeze %dma_start3A_171 : memref<1x4096xi32, #tpu.memory_space<hbm>> -> memref<4096xi32, #tpu.memory_space<hbm>>
        tpu.enqueue_dma source(%dma_start3A_172 : memref<4096xi32, #tpu.memory_space<hbm>>) target(%dma_start3A_169 : memref<4096xi32, #tpu.memory_space<vmem_shared>>) target_semaphore(%run_scoped3A : memref<!tpu.dma_semaphore, #tpu.memory_space<semaphore_mem>>)
        %dma_wait3A_173 = tpu.memref_slice %arg8[%mul3A_168] : memref<204800xi32, #tpu.memory_space<vmem_shared>> -> memref<4096xi32, #tpu.memory_space<vmem_shared>>
        %dma_wait3A_174 = arith.constant 0 : i32
        %dma_wait3A_175 = tpu.memref_slice %arg2[%add3A_20, %dma_wait3A_174] : memref<50x4096xi32, #tpu.memory_space<hbm>> -> memref<1x4096xi32, #tpu.memory_space<hbm>>
        %dma_wait3A_176 = tpu.memref_squeeze %dma_wait3A_175 : memref<1x4096xi32, #tpu.memory_space<hbm>> -> memref<4096xi32, #tpu.memory_space<hbm>>
        tpu.wait_dma2 semaphore(%run_scoped3A : memref<!tpu.dma_semaphore, #tpu.memory_space<semaphore_mem>>) src(%dma_wait3A_176 : memref<4096xi32, #tpu.memory_space<hbm>>) dst(%dma_wait3A_173 : memref<4096xi32, #tpu.memory_space<vmem_shared>>)
        tpu.yield
      }) : () -> ()
    } else {
    }
    %add3A_26 = arith.constant 48 : i32
    %add3A_27 = arith.addi %arg1, %add3A_26 : i32
    %lt3A_28 = arith.constant 50 : i32
    %lt3A_29 = arith.cmpi slt, %add3A_27, %lt3A_28 : i32
    %convert_element_type3A_30 = arith.extui %lt3A_29 : i1 to i32
    %cond3A_31 = arith.constant 0 : i32
    %cond3A_32 = arith.cmpi ne, %convert_element_type3A_30, %cond3A_31 : i32
    scf.if %cond3A_32 {
      %mul3A_167 = arith.constant 4096 : i32
      %mul3A_168 = arith.muli %add3A_27, %mul3A_167 : i32
      "tpu.region"() ({
        %run_scoped3A = tpu.sem_alloc : memref<!tpu.dma_semaphore, #tpu.memory_space<semaphore_mem>>
        %dma_start3A_169 = tpu.memref_slice %arg8[%mul3A_168] : memref<204800xi32, #tpu.memory_space<vmem_shared>> -> memref<4096xi32, #tpu.memory_space<vmem_shared>>
        %dma_start3A_170 = arith.constant 0 : i32
        %dma_start3A_171 = tpu.memref_slice %arg2[%add3A_27, %dma_start3A_170] : memref<50x4096xi32, #tpu.memory_space<hbm>> -> memref<1x4096xi32, #tpu.memory_space<hbm>>
        %dma_start3A_172 = tpu.memref_squeeze %dma_start3A_171 : memref<1x4096xi32, #tpu.memory_space<hbm>> -> memref<4096xi32, #tpu.memory_space<hbm>>
        tpu.enqueue_dma source(%dma_start3A_172 : memref<4096xi32, #tpu.memory_space<hbm>>) target(%dma_start3A_169 : memref<4096xi32, #tpu.memory_space<vmem_shared>>) target_semaphore(%run_scoped3A : memref<!tpu.dma_semaphore, #tpu.memory_space<semaphore_mem>>)
        %dma_wait3A_173 = tpu.memref_slice %arg8[%mul3A_168] : memref<204800xi32, #tpu.memory_space<vmem_shared>> -> memref<4096xi32, #tpu.memory_space<vmem_shared>>
        %dma_wait3A_174 = arith.constant 0 : i32
        %dma_wait3A_175 = tpu.memref_slice %arg2[%add3A_27, %dma_wait3A_174] : memref<50x4096xi32, #tpu.memory_space<hbm>> -> memref<1x4096xi32, #tpu.memory_space<hbm>>
        %dma_wait3A_176 = tpu.memref_squeeze %dma_wait3A_175 : memref<1x4096xi32, #tpu.memory_space<hbm>> -> memref<4096xi32, #tpu.memory_space<hbm>>
        tpu.wait_dma2 semaphore(%run_scoped3A : memref<!tpu.dma_semaphore, #tpu.memory_space<semaphore_mem>>) src(%dma_wait3A_176 : memref<4096xi32, #tpu.memory_space<hbm>>) dst(%dma_wait3A_173 : memref<4096xi32, #tpu.memory_space<vmem_shared>>)
        tpu.yield
      }) : () -> ()
    } else {
    }
    %barrier3A = arith.constant 0 : index
    tpu.barrier barrier_id(%barrier3A)
    %mul3A_33 = arith.constant 2 : i32
    %mul3A_34 = arith.muli %add3A, %mul3A_33 : i32
    %add3A_35 = arith.constant 0 : i32
    %add3A_36 = arith.addi %mul3A_34, %add3A_35 : i32
    %dma_wait3A = arith.constant 0 : i32
    %dma_wait3A_37 = tpu.memref_slice %arg3[%mul3A_2, %dma_wait3A] : memref<64x100000xf32, #tpu.memory_space<hbm>> -> memref<1x100000xf32, #tpu.memory_space<hbm>>
    %dma_wait3A_38 = tpu.memref_squeeze %dma_wait3A_37 : memref<1x100000xf32, #tpu.memory_space<hbm>> -> memref<100000xf32, #tpu.memory_space<hbm>>
    %dma_wait3A_39 = arith.constant 0 : i32
    %dma_wait3A_40 = tpu.memref_slice %arg3[%mul3A_2, %dma_wait3A_39] : memref<64x100000xf32, #tpu.memory_space<hbm>> -> memref<1x100000xf32, #tpu.memory_space<hbm>>
    %dma_wait3A_41 = tpu.memref_squeeze %dma_wait3A_40 : memref<1x100000xf32, #tpu.memory_space<hbm>> -> memref<100000xf32, #tpu.memory_space<hbm>>
    tpu.wait_dma2 semaphore(%arg11 : memref<!tpu.dma_semaphore, #tpu.memory_space<semaphore_mem>>) src(%dma_wait3A_41 : memref<100000xf32, #tpu.memory_space<hbm>>) dst(%arg5 : memref<100000xf32, #tpu.memory_space<vmem>>)
    %dma_start3A_42 = arith.constant 0 : i32
    %dma_start3A_43 = arith.constant 0 : i32
    %dma_start3A_44 = arith.constant 0 : i32
    %dma_start3A_45 = tpu.memref_slice %arg6[%dma_start3A_42, %dma_start3A_44] : memref<2x4096xi32, #tpu.memory_space<vmem>> -> memref<1x4096xi32, #tpu.memory_space<vmem>>
    %dma_start3A_46 = tpu.memref_squeeze %dma_start3A_45 : memref<1x4096xi32, #tpu.memory_space<vmem>> -> memref<4096xi32, #tpu.memory_space<vmem>>
    %dma_start3A_47 = arith.constant 0 : i32
    %dma_start3A_48 = tpu.memref_slice %arg8[%dma_start3A_47] : memref<204800xi32, #tpu.memory_space<vmem_shared>> -> memref<4096xi32, #tpu.memory_space<vmem_shared>>
    %dma_start3A_49 = tpu.memref_slice %arg9[%dma_start3A_43] : memref<2x!tpu.dma_semaphore, #tpu.memory_space<semaphore_mem>> -> memref<1x!tpu.dma_semaphore, #tpu.memory_space<semaphore_mem>>
    %dma_start3A_50 = tpu.memref_squeeze %dma_start3A_49 : memref<1x!tpu.dma_semaphore, #tpu.memory_space<semaphore_mem>> -> memref<!tpu.dma_semaphore, #tpu.memory_space<semaphore_mem>>
    %dma_start3A_51 = arith.constant 0 : i32
    %dma_start3A_52 = tpu.memref_slice %arg6[%dma_start3A_42, %dma_start3A_51] : memref<2x4096xi32, #tpu.memory_space<vmem>> -> memref<1x4096xi32, #tpu.memory_space<vmem>>
    %dma_start3A_53 = tpu.memref_squeeze %dma_start3A_52 : memref<1x4096xi32, #tpu.memory_space<vmem>> -> memref<4096xi32, #tpu.memory_space<vmem>>
    %dma_start3A_54 = arith.constant 0 : i32
    %dma_start3A_55 = tpu.memref_slice %arg8[%dma_start3A_54] : memref<204800xi32, #tpu.memory_space<vmem_shared>> -> memref<4096xi32, #tpu.memory_space<vmem_shared>>
    tpu.enqueue_dma source(%dma_start3A_55 : memref<4096xi32, #tpu.memory_space<vmem_shared>>) target(%dma_start3A_53 : memref<4096xi32, #tpu.memory_space<vmem>>) target_semaphore(%dma_start3A_50 : memref<!tpu.dma_semaphore, #tpu.memory_space<semaphore_mem>>)
    %scan3A = arith.constant 0 : i32
    %scan3A_56 = arith.constant 0 : i32
    %scan3A_57 = arith.constant 50 : i32
    %scan3A_58 = arith.addi %scan3A_56, %scan3A_57 : i32
    %scan3A_59 = arith.constant 1 : i32
    scf.for %scan3A_167 = %scan3A_56 to %scan3A_58 step %scan3A_59  : i32 {
      %rem3A = arith.constant 2 : i32
      %rem3A_168 = arith.remsi %scan3A_167, %rem3A : i32
      %add3A_169 = arith.constant 1 : i32
      %add3A_170 = arith.addi %scan3A_167, %add3A_169 : i32
      %lt3A_171 = arith.constant 50 : i32
      %lt3A_172 = arith.cmpi slt, %add3A_170, %lt3A_171 : i32
      %convert_element_type3A_173 = arith.extui %lt3A_172 : i1 to i32
      %cond3A_174 = arith.constant 0 : i32
      %cond3A_175 = arith.cmpi ne, %convert_element_type3A_173, %cond3A_174 : i32
      scf.if %cond3A_175 {
        %add3A_208 = arith.constant 1 : i32
        %add3A_209 = arith.addi %scan3A_167, %add3A_208 : i32
        %rem3A_210 = arith.constant 2 : i32
        %rem3A_211 = arith.remsi %add3A_209, %rem3A_210 : i32
        %add3A_212 = arith.constant 1 : i32
        %add3A_213 = arith.addi %scan3A_167, %add3A_212 : i32
        %mul3A_214 = arith.constant 4096 : i32
        %mul3A_215 = arith.muli %add3A_213, %mul3A_214 : i32
        %dma_start3A_216 = arith.constant 0 : i32
        %dma_start3A_217 = tpu.memref_slice %arg6[%rem3A_211, %dma_start3A_216] : memref<2x4096xi32, #tpu.memory_space<vmem>> -> memref<1x4096xi32, #tpu.memory_space<vmem>>
        %dma_start3A_218 = tpu.memref_squeeze %dma_start3A_217 : memref<1x4096xi32, #tpu.memory_space<vmem>> -> memref<4096xi32, #tpu.memory_space<vmem>>
        %dma_start3A_219 = tpu.memref_slice %arg8[%mul3A_215] : memref<204800xi32, #tpu.memory_space<vmem_shared>> -> memref<4096xi32, #tpu.memory_space<vmem_shared>>
        %dma_start3A_220 = tpu.memref_slice %arg9[%rem3A_211] : memref<2x!tpu.dma_semaphore, #tpu.memory_space<semaphore_mem>> -> memref<1x!tpu.dma_semaphore, #tpu.memory_space<semaphore_mem>>
        %dma_start3A_221 = tpu.memref_squeeze %dma_start3A_220 : memref<1x!tpu.dma_semaphore, #tpu.memory_space<semaphore_mem>> -> memref<!tpu.dma_semaphore, #tpu.memory_space<semaphore_mem>>
        %dma_start3A_222 = arith.constant 0 : i32
        %dma_start3A_223 = tpu.memref_slice %arg6[%rem3A_211, %dma_start3A_222] : memref<2x4096xi32, #tpu.memory_space<vmem>> -> memref<1x4096xi32, #tpu.memory_space<vmem>>
        %dma_start3A_224 = tpu.memref_squeeze %dma_start3A_223 : memref<1x4096xi32, #tpu.memory_space<vmem>> -> memref<4096xi32, #tpu.memory_space<vmem>>
        %dma_start3A_225 = tpu.memref_slice %arg8[%mul3A_215] : memref<204800xi32, #tpu.memory_space<vmem_shared>> -> memref<4096xi32, #tpu.memory_space<vmem_shared>>
        tpu.enqueue_dma source(%dma_start3A_225 : memref<4096xi32, #tpu.memory_space<vmem_shared>>) target(%dma_start3A_224 : memref<4096xi32, #tpu.memory_space<vmem>>) target_semaphore(%dma_start3A_221 : memref<!tpu.dma_semaphore, #tpu.memory_space<semaphore_mem>>)
      } else {
      }
      %mul3A_176 = arith.constant 4096 : i32
      %mul3A_177 = arith.muli %scan3A_167, %mul3A_176 : i32
      %dma_wait3A_178 = arith.constant 0 : i32
      %dma_wait3A_179 = tpu.memref_slice %arg6[%rem3A_168, %dma_wait3A_178] : memref<2x4096xi32, #tpu.memory_space<vmem>> -> memref<1x4096xi32, #tpu.memory_space<vmem>>
      %dma_wait3A_180 = tpu.memref_squeeze %dma_wait3A_179 : memref<1x4096xi32, #tpu.memory_space<vmem>> -> memref<4096xi32, #tpu.memory_space<vmem>>
      %dma_wait3A_181 = tpu.memref_slice %arg8[%mul3A_177] : memref<204800xi32, #tpu.memory_space<vmem_shared>> -> memref<4096xi32, #tpu.memory_space<vmem_shared>>
      %dma_wait3A_182 = tpu.memref_slice %arg9[%rem3A_168] : memref<2x!tpu.dma_semaphore, #tpu.memory_space<semaphore_mem>> -> memref<1x!tpu.dma_semaphore, #tpu.memory_space<semaphore_mem>>
      %dma_wait3A_183 = tpu.memref_squeeze %dma_wait3A_182 : memref<1x!tpu.dma_semaphore, #tpu.memory_space<semaphore_mem>> -> memref<!tpu.dma_semaphore, #tpu.memory_space<semaphore_mem>>
      %dma_wait3A_184 = arith.constant 0 : i32
      %dma_wait3A_185 = tpu.memref_slice %arg6[%rem3A_168, %dma_wait3A_184] : memref<2x4096xi32, #tpu.memory_space<vmem>> -> memref<1x4096xi32, #tpu.memory_space<vmem>>
      %dma_wait3A_186 = tpu.memref_squeeze %dma_wait3A_185 : memref<1x4096xi32, #tpu.memory_space<vmem>> -> memref<4096xi32, #tpu.memory_space<vmem>>
      %dma_wait3A_187 = tpu.memref_slice %arg8[%mul3A_177] : memref<204800xi32, #tpu.memory_space<vmem_shared>> -> memref<4096xi32, #tpu.memory_space<vmem_shared>>
      tpu.wait_dma2 semaphore(%dma_wait3A_183 : memref<!tpu.dma_semaphore, #tpu.memory_space<semaphore_mem>>) src(%dma_wait3A_187 : memref<4096xi32, #tpu.memory_space<vmem_shared>>) dst(%dma_wait3A_186 : memref<4096xi32, #tpu.memory_space<vmem>>)
      %ge3A = arith.constant 2 : i32
      %ge3A_188 = arith.cmpi sge, %scan3A_167, %ge3A : i32
      %convert_element_type3A_189 = arith.extui %ge3A_188 : i1 to i32
      %cond3A_190 = arith.constant 0 : i32
      %cond3A_191 = arith.cmpi ne, %convert_element_type3A_189, %cond3A_190 : i32
      scf.if %cond3A_191 {
        %sub3A = arith.constant 2 : i32
        %sub3A_208 = arith.subi %scan3A_167, %sub3A : i32
        %dma_wait3A_209 = arith.constant 0 : i32
        %dma_wait3A_210 = tpu.memref_slice %arg7[%rem3A_168, %dma_wait3A_209] : memref<2x4096xf32, #tpu.memory_space<vmem>> -> memref<1x4096xf32, #tpu.memory_space<vmem>>
        %dma_wait3A_211 = tpu.memref_squeeze %dma_wait3A_210 : memref<1x4096xf32, #tpu.memory_space<vmem>> -> memref<4096xf32, #tpu.memory_space<vmem>>
        %dma_wait3A_212 = arith.constant 0 : i32
        %dma_wait3A_213 = tpu.memref_slice %arg4[%sub3A_208, %add3A_36, %dma_wait3A_212] : memref<50x64x4096xf32, #tpu.memory_space<hbm>> -> memref<1x1x4096xf32, #tpu.memory_space<hbm>>
        %dma_wait3A_214 = tpu.memref_squeeze %dma_wait3A_213 : memref<1x1x4096xf32, #tpu.memory_space<hbm>> -> memref<4096xf32, #tpu.memory_space<hbm>>
        %dma_wait3A_215 = tpu.memref_slice %arg10[%rem3A_168] : memref<2x!tpu.dma_semaphore, #tpu.memory_space<semaphore_mem>> -> memref<1x!tpu.dma_semaphore, #tpu.memory_space<semaphore_mem>>
        %dma_wait3A_216 = tpu.memref_squeeze %dma_wait3A_215 : memref<1x!tpu.dma_semaphore, #tpu.memory_space<semaphore_mem>> -> memref<!tpu.dma_semaphore, #tpu.memory_space<semaphore_mem>>
        %dma_wait3A_217 = arith.constant 0 : i32
        %dma_wait3A_218 = tpu.memref_slice %arg4[%sub3A_208, %add3A_36, %dma_wait3A_217] : memref<50x64x4096xf32, #tpu.memory_space<hbm>> -> memref<1x1x4096xf32, #tpu.memory_space<hbm>>
        %dma_wait3A_219 = tpu.memref_squeeze %dma_wait3A_218 : memref<1x1x4096xf32, #tpu.memory_space<hbm>> -> memref<4096xf32, #tpu.memory_space<hbm>>
        %dma_wait3A_220 = arith.constant 0 : i32
        %dma_wait3A_221 = tpu.memref_slice %arg7[%rem3A_168, %dma_wait3A_220] : memref<2x4096xf32, #tpu.memory_space<vmem>> -> memref<1x4096xf32, #tpu.memory_space<vmem>>
        %dma_wait3A_222 = tpu.memref_squeeze %dma_wait3A_221 : memref<1x4096xf32, #tpu.memory_space<vmem>> -> memref<4096xf32, #tpu.memory_space<vmem>>
        tpu.wait_dma2 semaphore(%dma_wait3A_216 : memref<!tpu.dma_semaphore, #tpu.memory_space<semaphore_mem>>) src(%dma_wait3A_222 : memref<4096xf32, #tpu.memory_space<vmem>>) dst(%dma_wait3A_219 : memref<4096xf32, #tpu.memory_space<hbm>>)
      } else {
      }
      %parallel_loop3A = arith.constant 0 : i32
      %parallel_loop3A_192 = arith.constant 4096 : i32
      %parallel_loop3A_193 = arith.constant 16 : i32
      scf.for %parallel_loop3A_208 = %parallel_loop3A to %parallel_loop3A_192 step %parallel_loop3A_193  : i32 {
        %parallel_loop3A_209 = arith.index_cast %rem3A_168 : i32 to index
        %parallel_loop3A_210 = arith.index_cast %parallel_loop3A_208 : i32 to index
        %parallel_loop3A_211 = tpu.vector_load %arg6[%parallel_loop3A_209, %parallel_loop3A_210] {strides = array<i32>} : memref<2x4096xi32, #tpu.memory_space<vmem>>, vector<16xi32>,
        %parallel_loop3A_212 = tpu.vector_load_idx %arg5[%parallel_loop3A_211] : memref<100000xf32, #tpu.memory_space<vmem>>[vector<16xi32>], vector<16xf32>,
        %parallel_loop3A_213 = arith.index_cast %rem3A_168 : i32 to index
        %parallel_loop3A_214 = arith.index_cast %parallel_loop3A_208 : i32 to index
        %parallel_loop3A_215 = tpu.vector_load %arg7[%parallel_loop3A_213, %parallel_loop3A_214] {strides = array<i32>} : memref<2x4096xf32, #tpu.memory_space<vmem>>, vector<16xf32>,
        tpu.vector_store %arg7[%parallel_loop3A_213, %parallel_loop3A_214], %parallel_loop3A_212 {strides = array<i32>} : memref<2x4096xf32, #tpu.memory_space<vmem>>, vector<16xf32>,
      } {sc.loop_unroll_factor = 32 : i64, sc.parallel_access}
      %dma_start3A_194 = arith.constant 0 : i32
      %dma_start3A_195 = tpu.memref_slice %arg7[%rem3A_168, %dma_start3A_194] : memref<2x4096xf32, #tpu.memory_space<vmem>> -> memref<1x4096xf32, #tpu.memory_space<vmem>>
      %dma_start3A_196 = tpu.memref_squeeze %dma_start3A_195 : memref<1x4096xf32, #tpu.memory_space<vmem>> -> memref<4096xf32, #tpu.memory_space<vmem>>
      %dma_start3A_197 = arith.constant 0 : i32
      %dma_start3A_198 = tpu.memref_slice %arg4[%scan3A_167, %add3A_36, %dma_start3A_197] : memref<50x64x4096xf32, #tpu.memory_space<hbm>> -> memref<1x1x4096xf32, #tpu.memory_space<hbm>>
      %dma_start3A_199 = tpu.memref_squeeze %dma_start3A_198 : memref<1x1x4096xf32, #tpu.memory_space<hbm>> -> memref<4096xf32, #tpu.memory_space<hbm>>
      %dma_start3A_200 = tpu.memref_slice %arg10[%rem3A_168] : memref<2x!tpu.dma_semaphore, #tpu.memory_space<semaphore_mem>> -> memref<1x!tpu.dma_semaphore, #tpu.memory_space<semaphore_mem>>
      %dma_start3A_201 = tpu.memref_squeeze %dma_start3A_200 : memref<1x!tpu.dma_semaphore, #tpu.memory_space<semaphore_mem>> -> memref<!tpu.dma_semaphore, #tpu.memory_space<semaphore_mem>>
      %dma_start3A_202 = arith.constant 0 : i32
      %dma_start3A_203 = tpu.memref_slice %arg4[%scan3A_167, %add3A_36, %dma_start3A_202] : memref<50x64x4096xf32, #tpu.memory_space<hbm>> -> memref<1x1x4096xf32, #tpu.memory_space<hbm>>
      %dma_start3A_204 = tpu.memref_squeeze %dma_start3A_203 : memref<1x1x4096xf32, #tpu.memory_space<hbm>> -> memref<4096xf32, #tpu.memory_space<hbm>>
      %dma_start3A_205 = arith.constant 0 : i32
      %dma_start3A_206 = tpu.memref_slice %arg7[%rem3A_168, %dma_start3A_205] : memref<2x4096xf32, #tpu.memory_space<vmem>> -> memref<1x4096xf32, #tpu.memory_space<vmem>>
      %dma_start3A_207 = tpu.memref_squeeze %dma_start3A_206 : memref<1x4096xf32, #tpu.memory_space<vmem>> -> memref<4096xf32, #tpu.memory_space<vmem>>
      tpu.enqueue_dma source(%dma_start3A_207 : memref<4096xf32, #tpu.memory_space<vmem>>) target(%dma_start3A_204 : memref<4096xf32, #tpu.memory_space<hbm>>) target_semaphore(%dma_start3A_201 : memref<!tpu.dma_semaphore, #tpu.memory_space<semaphore_mem>>)
    }
    %scan3A_60 = arith.constant 50 : i32
    %add3A_61 = arith.constant 1 : i32
    %add3A_62 = arith.addi %add3A_36, %add3A_61 : i32
    %dma_start3A_63 = arith.constant 0 : i32
    %dma_start3A_64 = tpu.memref_slice %arg3[%add3A_62, %dma_start3A_63] : memref<64x100000xf32, #tpu.memory_space<hbm>> -> memref<1x100000xf32, #tpu.memory_space<hbm>>
    %dma_start3A_65 = tpu.memref_squeeze %dma_start3A_64 : memref<1x100000xf32, #tpu.memory_space<hbm>> -> memref<100000xf32, #tpu.memory_space<hbm>>
    %dma_start3A_66 = arith.constant 0 : i32
    %dma_start3A_67 = tpu.memref_slice %arg3[%add3A_62, %dma_start3A_66] : memref<64x100000xf32, #tpu.memory_space<hbm>> -> memref<1x100000xf32, #tpu.memory_space<hbm>>
    %dma_start3A_68 = tpu.memref_squeeze %dma_start3A_67 : memref<1x100000xf32, #tpu.memory_space<hbm>> -> memref<100000xf32, #tpu.memory_space<hbm>>
    tpu.enqueue_dma source(%dma_start3A_68 : memref<100000xf32, #tpu.memory_space<hbm>>) target(%arg5 : memref<100000xf32, #tpu.memory_space<vmem>>) target_semaphore(%arg11 : memref<!tpu.dma_semaphore, #tpu.memory_space<semaphore_mem>>)
    %dma_wait3A_69 = arith.constant 0 : i32
    %dma_wait3A_70 = arith.constant 48 : i32
    %dma_wait3A_71 = arith.constant 0 : i32
    %dma_wait3A_72 = arith.constant 0 : i32
    %dma_wait3A_73 = tpu.memref_slice %arg7[%dma_wait3A_69, %dma_wait3A_72] : memref<2x4096xf32, #tpu.memory_space<vmem>> -> memref<1x4096xf32, #tpu.memory_space<vmem>>
    %dma_wait3A_74 = tpu.memref_squeeze %dma_wait3A_73 : memref<1x4096xf32, #tpu.memory_space<vmem>> -> memref<4096xf32, #tpu.memory_space<vmem>>
    %dma_wait3A_75 = arith.constant 0 : i32
    %dma_wait3A_76 = tpu.memref_slice %arg4[%dma_wait3A_70, %add3A_36, %dma_wait3A_75] : memref<50x64x4096xf32, #tpu.memory_space<hbm>> -> memref<1x1x4096xf32, #tpu.memory_space<hbm>>
    %dma_wait3A_77 = tpu.memref_squeeze %dma_wait3A_76 : memref<1x1x4096xf32, #tpu.memory_space<hbm>> -> memref<4096xf32, #tpu.memory_space<hbm>>
    %dma_wait3A_78 = tpu.memref_slice %arg10[%dma_wait3A_71] : memref<2x!tpu.dma_semaphore, #tpu.memory_space<semaphore_mem>> -> memref<1x!tpu.dma_semaphore, #tpu.memory_space<semaphore_mem>>
    %dma_wait3A_79 = tpu.memref_squeeze %dma_wait3A_78 : memref<1x!tpu.dma_semaphore, #tpu.memory_space<semaphore_mem>> -> memref<!tpu.dma_semaphore, #tpu.memory_space<semaphore_mem>>
    %dma_wait3A_80 = arith.constant 0 : i32
    %dma_wait3A_81 = tpu.memref_slice %arg4[%dma_wait3A_70, %add3A_36, %dma_wait3A_80] : memref<50x64x4096xf32, #tpu.memory_space<hbm>> -> memref<1x1x4096xf32, #tpu.memory_space<hbm>>
    %dma_wait3A_82 = tpu.memref_squeeze %dma_wait3A_81 : memref<1x1x4096xf32, #tpu.memory_space<hbm>> -> memref<4096xf32, #tpu.memory_space<hbm>>
    %dma_wait3A_83 = arith.constant 0 : i32
    %dma_wait3A_84 = tpu.memref_slice %arg7[%dma_wait3A_69, %dma_wait3A_83] : memref<2x4096xf32, #tpu.memory_space<vmem>> -> memref<1x4096xf32, #tpu.memory_space<vmem>>
    %dma_wait3A_85 = tpu.memref_squeeze %dma_wait3A_84 : memref<1x4096xf32, #tpu.memory_space<vmem>> -> memref<4096xf32, #tpu.memory_space<vmem>>
    tpu.wait_dma2 semaphore(%dma_wait3A_79 : memref<!tpu.dma_semaphore, #tpu.memory_space<semaphore_mem>>) src(%dma_wait3A_85 : memref<4096xf32, #tpu.memory_space<vmem>>) dst(%dma_wait3A_82 : memref<4096xf32, #tpu.memory_space<hbm>>)
    %dma_wait3A_86 = arith.constant 1 : i32
    %dma_wait3A_87 = arith.constant 49 : i32
    %dma_wait3A_88 = arith.constant 1 : i32
    %dma_wait3A_89 = arith.constant 0 : i32
    %dma_wait3A_90 = tpu.memref_slice %arg7[%dma_wait3A_86, %dma_wait3A_89] : memref<2x4096xf32, #tpu.memory_space<vmem>> -> memref<1x4096xf32, #tpu.memory_space<vmem>>
    %dma_wait3A_91 = tpu.memref_squeeze %dma_wait3A_90 : memref<1x4096xf32, #tpu.memory_space<vmem>> -> memref<4096xf32, #tpu.memory_space<vmem>>
    %dma_wait3A_92 = arith.constant 0 : i32
    %dma_wait3A_93 = tpu.memref_slice %arg4[%dma_wait3A_87, %add3A_36, %dma_wait3A_92] : memref<50x64x4096xf32, #tpu.memory_space<hbm>> -> memref<1x1x4096xf32, #tpu.memory_space<hbm>>
    %dma_wait3A_94 = tpu.memref_squeeze %dma_wait3A_93 : memref<1x1x4096xf32, #tpu.memory_space<hbm>> -> memref<4096xf32, #tpu.memory_space<hbm>>
    %dma_wait3A_95 = tpu.memref_slice %arg10[%dma_wait3A_88] : memref<2x!tpu.dma_semaphore, #tpu.memory_space<semaphore_mem>> -> memref<1x!tpu.dma_semaphore, #tpu.memory_space<semaphore_mem>>
    %dma_wait3A_96 = tpu.memref_squeeze %dma_wait3A_95 : memref<1x!tpu.dma_semaphore, #tpu.memory_space<semaphore_mem>> -> memref<!tpu.dma_semaphore, #tpu.memory_space<semaphore_mem>>
    %dma_wait3A_97 = arith.constant 0 : i32
    %dma_wait3A_98 = tpu.memref_slice %arg4[%dma_wait3A_87, %add3A_36, %dma_wait3A_97] : memref<50x64x4096xf32, #tpu.memory_space<hbm>> -> memref<1x1x4096xf32, #tpu.memory_space<hbm>>
    %dma_wait3A_99 = tpu.memref_squeeze %dma_wait3A_98 : memref<1x1x4096xf32, #tpu.memory_space<hbm>> -> memref<4096xf32, #tpu.memory_space<hbm>>
    %dma_wait3A_100 = arith.constant 0 : i32
    %dma_wait3A_101 = tpu.memref_slice %arg7[%dma_wait3A_86, %dma_wait3A_100] : memref<2x4096xf32, #tpu.memory_space<vmem>> -> memref<1x4096xf32, #tpu.memory_space<vmem>>
    %dma_wait3A_102 = tpu.memref_squeeze %dma_wait3A_101 : memref<1x4096xf32, #tpu.memory_space<vmem>> -> memref<4096xf32, #tpu.memory_space<vmem>>
    tpu.wait_dma2 semaphore(%dma_wait3A_96 : memref<!tpu.dma_semaphore, #tpu.memory_space<semaphore_mem>>) src(%dma_wait3A_102 : memref<4096xf32, #tpu.memory_space<vmem>>) dst(%dma_wait3A_99 : memref<4096xf32, #tpu.memory_space<hbm>>)
    %mul3A_103 = arith.constant 2 : i32
    %mul3A_104 = arith.muli %add3A, %mul3A_103 : i32
    %add3A_105 = arith.constant 1 : i32
    %add3A_106 = arith.addi %mul3A_104, %add3A_105 : i32
    %dma_wait3A_107 = arith.constant 0 : i32
    %dma_wait3A_108 = tpu.memref_slice %arg3[%add3A_62, %dma_wait3A_107] : memref<64x100000xf32, #tpu.memory_space<hbm>> -> memref<1x100000xf32, #tpu.memory_space<hbm>>
    %dma_wait3A_109 = tpu.memref_squeeze %dma_wait3A_108 : memref<1x100000xf32, #tpu.memory_space<hbm>> -> memref<100000xf32, #tpu.memory_space<hbm>>
    %dma_wait3A_110 = arith.constant 0 : i32
    %dma_wait3A_111 = tpu.memref_slice %arg3[%add3A_62, %dma_wait3A_110] : memref<64x100000xf32, #tpu.memory_space<hbm>> -> memref<1x100000xf32, #tpu.memory_space<hbm>>
    %dma_wait3A_112 = tpu.memref_squeeze %dma_wait3A_111 : memref<1x100000xf32, #tpu.memory_space<hbm>> -> memref<100000xf32, #tpu.memory_space<hbm>>
    tpu.wait_dma2 semaphore(%arg11 : memref<!tpu.dma_semaphore, #tpu.memory_space<semaphore_mem>>) src(%dma_wait3A_112 : memref<100000xf32, #tpu.memory_space<hbm>>) dst(%arg5 : memref<100000xf32, #tpu.memory_space<vmem>>)
    %dma_start3A_113 = arith.constant 0 : i32
    %dma_start3A_114 = arith.constant 0 : i32
    %dma_start3A_115 = arith.constant 0 : i32
    %dma_start3A_116 = tpu.memref_slice %arg6[%dma_start3A_113, %dma_start3A_115] : memref<2x4096xi32, #tpu.memory_space<vmem>> -> memref<1x4096xi32, #tpu.memory_space<vmem>>
    %dma_start3A_117 = tpu.memref_squeeze %dma_start3A_116 : memref<1x4096xi32, #tpu.memory_space<vmem>> -> memref<4096xi32, #tpu.memory_space<vmem>>
    %dma_start3A_118 = arith.constant 0 : i32
    %dma_start3A_119 = tpu.memref_slice %arg8[%dma_start3A_118] : memref<204800xi32, #tpu.memory_space<vmem_shared>> -> memref<4096xi32, #tpu.memory_space<vmem_shared>>
    %dma_start3A_120 = tpu.memref_slice %arg9[%dma_start3A_114] : memref<2x!tpu.dma_semaphore, #tpu.memory_space<semaphore_mem>> -> memref<1x!tpu.dma_semaphore, #tpu.memory_space<semaphore_mem>>
    %dma_start3A_121 = tpu.memref_squeeze %dma_start3A_120 : memref<1x!tpu.dma_semaphore, #tpu.memory_space<semaphore_mem>> -> memref<!tpu.dma_semaphore, #tpu.memory_space<semaphore_mem>>
    %dma_start3A_122 = arith.constant 0 : i32
    %dma_start3A_123 = tpu.memref_slice %arg6[%dma_start3A_113, %dma_start3A_122] : memref<2x4096xi32, #tpu.memory_space<vmem>> -> memref<1x4096xi32, #tpu.memory_space<vmem>>
    %dma_start3A_124 = tpu.memref_squeeze %dma_start3A_123 : memref<1x4096xi32, #tpu.memory_space<vmem>> -> memref<4096xi32, #tpu.memory_space<vmem>>
    %dma_start3A_125 = arith.constant 0 : i32
    %dma_start3A_126 = tpu.memref_slice %arg8[%dma_start3A_125] : memref<204800xi32, #tpu.memory_space<vmem_shared>> -> memref<4096xi32, #tpu.memory_space<vmem_shared>>
    tpu.enqueue_dma source(%dma_start3A_126 : memref<4096xi32, #tpu.memory_space<vmem_shared>>) target(%dma_start3A_124 : memref<4096xi32, #tpu.memory_space<vmem>>) target_semaphore(%dma_start3A_121 : memref<!tpu.dma_semaphore, #tpu.memory_space<semaphore_mem>>)
    %scan3A_127 = arith.constant 0 : i32
    %scan3A_128 = arith.constant 0 : i32
    %scan3A_129 = arith.constant 50 : i32
    %scan3A_130 = arith.addi %scan3A_128, %scan3A_129 : i32
    %scan3A_131 = arith.constant 1 : i32
    scf.for %scan3A_167 = %scan3A_128 to %scan3A_130 step %scan3A_131  : i32 {
      %rem3A = arith.constant 2 : i32
      %rem3A_168 = arith.remsi %scan3A_167, %rem3A : i32
      %add3A_169 = arith.constant 1 : i32
      %add3A_170 = arith.addi %scan3A_167, %add3A_169 : i32
      %lt3A_171 = arith.constant 50 : i32
      %lt3A_172 = arith.cmpi slt, %add3A_170, %lt3A_171 : i32
      %convert_element_type3A_173 = arith.extui %lt3A_172 : i1 to i32
      %cond3A_174 = arith.constant 0 : i32
      %cond3A_175 = arith.cmpi ne, %convert_element_type3A_173, %cond3A_174 : i32
      scf.if %cond3A_175 {
        %add3A_208 = arith.constant 1 : i32
        %add3A_209 = arith.addi %scan3A_167, %add3A_208 : i32
        %rem3A_210 = arith.constant 2 : i32
        %rem3A_211 = arith.remsi %add3A_209, %rem3A_210 : i32
        %add3A_212 = arith.constant 1 : i32
        %add3A_213 = arith.addi %scan3A_167, %add3A_212 : i32
        %mul3A_214 = arith.constant 4096 : i32
        %mul3A_215 = arith.muli %add3A_213, %mul3A_214 : i32
        %dma_start3A_216 = arith.constant 0 : i32
        %dma_start3A_217 = tpu.memref_slice %arg6[%rem3A_211, %dma_start3A_216] : memref<2x4096xi32, #tpu.memory_space<vmem>> -> memref<1x4096xi32, #tpu.memory_space<vmem>>
        %dma_start3A_218 = tpu.memref_squeeze %dma_start3A_217 : memref<1x4096xi32, #tpu.memory_space<vmem>> -> memref<4096xi32, #tpu.memory_space<vmem>>
        %dma_start3A_219 = tpu.memref_slice %arg8[%mul3A_215] : memref<204800xi32, #tpu.memory_space<vmem_shared>> -> memref<4096xi32, #tpu.memory_space<vmem_shared>>
        %dma_start3A_220 = tpu.memref_slice %arg9[%rem3A_211] : memref<2x!tpu.dma_semaphore, #tpu.memory_space<semaphore_mem>> -> memref<1x!tpu.dma_semaphore, #tpu.memory_space<semaphore_mem>>
        %dma_start3A_221 = tpu.memref_squeeze %dma_start3A_220 : memref<1x!tpu.dma_semaphore, #tpu.memory_space<semaphore_mem>> -> memref<!tpu.dma_semaphore, #tpu.memory_space<semaphore_mem>>
        %dma_start3A_222 = arith.constant 0 : i32
        %dma_start3A_223 = tpu.memref_slice %arg6[%rem3A_211, %dma_start3A_222] : memref<2x4096xi32, #tpu.memory_space<vmem>> -> memref<1x4096xi32, #tpu.memory_space<vmem>>
        %dma_start3A_224 = tpu.memref_squeeze %dma_start3A_223 : memref<1x4096xi32, #tpu.memory_space<vmem>> -> memref<4096xi32, #tpu.memory_space<vmem>>
        %dma_start3A_225 = tpu.memref_slice %arg8[%mul3A_215] : memref<204800xi32, #tpu.memory_space<vmem_shared>> -> memref<4096xi32, #tpu.memory_space<vmem_shared>>
        tpu.enqueue_dma source(%dma_start3A_225 : memref<4096xi32, #tpu.memory_space<vmem_shared>>) target(%dma_start3A_224 : memref<4096xi32, #tpu.memory_space<vmem>>) target_semaphore(%dma_start3A_221 : memref<!tpu.dma_semaphore, #tpu.memory_space<semaphore_mem>>)
      } else {
      }
      %mul3A_176 = arith.constant 4096 : i32
      %mul3A_177 = arith.muli %scan3A_167, %mul3A_176 : i32
      %dma_wait3A_178 = arith.constant 0 : i32
      %dma_wait3A_179 = tpu.memref_slice %arg6[%rem3A_168, %dma_wait3A_178] : memref<2x4096xi32, #tpu.memory_space<vmem>> -> memref<1x4096xi32, #tpu.memory_space<vmem>>
      %dma_wait3A_180 = tpu.memref_squeeze %dma_wait3A_179 : memref<1x4096xi32, #tpu.memory_space<vmem>> -> memref<4096xi32, #tpu.memory_space<vmem>>
      %dma_wait3A_181 = tpu.memref_slice %arg8[%mul3A_177] : memref<204800xi32, #tpu.memory_space<vmem_shared>> -> memref<4096xi32, #tpu.memory_space<vmem_shared>>
      %dma_wait3A_182 = tpu.memref_slice %arg9[%rem3A_168] : memref<2x!tpu.dma_semaphore, #tpu.memory_space<semaphore_mem>> -> memref<1x!tpu.dma_semaphore, #tpu.memory_space<semaphore_mem>>
      %dma_wait3A_183 = tpu.memref_squeeze %dma_wait3A_182 : memref<1x!tpu.dma_semaphore, #tpu.memory_space<semaphore_mem>> -> memref<!tpu.dma_semaphore, #tpu.memory_space<semaphore_mem>>
      %dma_wait3A_184 = arith.constant 0 : i32
      %dma_wait3A_185 = tpu.memref_slice %arg6[%rem3A_168, %dma_wait3A_184] : memref<2x4096xi32, #tpu.memory_space<vmem>> -> memref<1x4096xi32, #tpu.memory_space<vmem>>
      %dma_wait3A_186 = tpu.memref_squeeze %dma_wait3A_185 : memref<1x4096xi32, #tpu.memory_space<vmem>> -> memref<4096xi32, #tpu.memory_space<vmem>>
      %dma_wait3A_187 = tpu.memref_slice %arg8[%mul3A_177] : memref<204800xi32, #tpu.memory_space<vmem_shared>> -> memref<4096xi32, #tpu.memory_space<vmem_shared>>
      tpu.wait_dma2 semaphore(%dma_wait3A_183 : memref<!tpu.dma_semaphore, #tpu.memory_space<semaphore_mem>>) src(%dma_wait3A_187 : memref<4096xi32, #tpu.memory_space<vmem_shared>>) dst(%dma_wait3A_186 : memref<4096xi32, #tpu.memory_space<vmem>>)
      %ge3A = arith.constant 2 : i32
      %ge3A_188 = arith.cmpi sge, %scan3A_167, %ge3A : i32
      %convert_element_type3A_189 = arith.extui %ge3A_188 : i1 to i32
      %cond3A_190 = arith.constant 0 : i32
      %cond3A_191 = arith.cmpi ne, %convert_element_type3A_189, %cond3A_190 : i32
      scf.if %cond3A_191 {
        %sub3A = arith.constant 2 : i32
        %sub3A_208 = arith.subi %scan3A_167, %sub3A : i32
        %dma_wait3A_209 = arith.constant 0 : i32
        %dma_wait3A_210 = tpu.memref_slice %arg7[%rem3A_168, %dma_wait3A_209] : memref<2x4096xf32, #tpu.memory_space<vmem>> -> memref<1x4096xf32, #tpu.memory_space<vmem>>
        %dma_wait3A_211 = tpu.memref_squeeze %dma_wait3A_210 : memref<1x4096xf32, #tpu.memory_space<vmem>> -> memref<4096xf32, #tpu.memory_space<vmem>>
        %dma_wait3A_212 = arith.constant 0 : i32
        %dma_wait3A_213 = tpu.memref_slice %arg4[%sub3A_208, %add3A_106, %dma_wait3A_212] : memref<50x64x4096xf32, #tpu.memory_space<hbm>> -> memref<1x1x4096xf32, #tpu.memory_space<hbm>>
        %dma_wait3A_214 = tpu.memref_squeeze %dma_wait3A_213 : memref<1x1x4096xf32, #tpu.memory_space<hbm>> -> memref<4096xf32, #tpu.memory_space<hbm>>
        %dma_wait3A_215 = tpu.memref_slice %arg10[%rem3A_168] : memref<2x!tpu.dma_semaphore, #tpu.memory_space<semaphore_mem>> -> memref<1x!tpu.dma_semaphore, #tpu.memory_space<semaphore_mem>>
        %dma_wait3A_216 = tpu.memref_squeeze %dma_wait3A_215 : memref<1x!tpu.dma_semaphore, #tpu.memory_space<semaphore_mem>> -> memref<!tpu.dma_semaphore, #tpu.memory_space<semaphore_mem>>
        %dma_wait3A_217 = arith.constant 0 : i32
        %dma_wait3A_218 = tpu.memref_slice %arg4[%sub3A_208, %add3A_106, %dma_wait3A_217] : memref<50x64x4096xf32, #tpu.memory_space<hbm>> -> memref<1x1x4096xf32, #tpu.memory_space<hbm>>
        %dma_wait3A_219 = tpu.memref_squeeze %dma_wait3A_218 : memref<1x1x4096xf32, #tpu.memory_space<hbm>> -> memref<4096xf32, #tpu.memory_space<hbm>>
        %dma_wait3A_220 = arith.constant 0 : i32
        %dma_wait3A_221 = tpu.memref_slice %arg7[%rem3A_168, %dma_wait3A_220] : memref<2x4096xf32, #tpu.memory_space<vmem>> -> memref<1x4096xf32, #tpu.memory_space<vmem>>
        %dma_wait3A_222 = tpu.memref_squeeze %dma_wait3A_221 : memref<1x4096xf32, #tpu.memory_space<vmem>> -> memref<4096xf32, #tpu.memory_space<vmem>>
        tpu.wait_dma2 semaphore(%dma_wait3A_216 : memref<!tpu.dma_semaphore, #tpu.memory_space<semaphore_mem>>) src(%dma_wait3A_222 : memref<4096xf32, #tpu.memory_space<vmem>>) dst(%dma_wait3A_219 : memref<4096xf32, #tpu.memory_space<hbm>>)
      } else {
      }
      %parallel_loop3A = arith.constant 0 : i32
      %parallel_loop3A_192 = arith.constant 4096 : i32
      %parallel_loop3A_193 = arith.constant 16 : i32
      scf.for %parallel_loop3A_208 = %parallel_loop3A to %parallel_loop3A_192 step %parallel_loop3A_193  : i32 {
        %parallel_loop3A_209 = arith.index_cast %rem3A_168 : i32 to index
        %parallel_loop3A_210 = arith.index_cast %parallel_loop3A_208 : i32 to index
        %parallel_loop3A_211 = tpu.vector_load %arg6[%parallel_loop3A_209, %parallel_loop3A_210] {strides = array<i32>} : memref<2x4096xi32, #tpu.memory_space<vmem>>, vector<16xi32>,
        %parallel_loop3A_212 = tpu.vector_load_idx %arg5[%parallel_loop3A_211] : memref<100000xf32, #tpu.memory_space<vmem>>[vector<16xi32>], vector<16xf32>,
        %parallel_loop3A_213 = arith.index_cast %rem3A_168 : i32 to index
        %parallel_loop3A_214 = arith.index_cast %parallel_loop3A_208 : i32 to index
        %parallel_loop3A_215 = tpu.vector_load %arg7[%parallel_loop3A_213, %parallel_loop3A_214] {strides = array<i32>} : memref<2x4096xf32, #tpu.memory_space<vmem>>, vector<16xf32>,
        tpu.vector_store %arg7[%parallel_loop3A_213, %parallel_loop3A_214], %parallel_loop3A_212 {strides = array<i32>} : memref<2x4096xf32, #tpu.memory_space<vmem>>, vector<16xf32>,
      } {sc.loop_unroll_factor = 32 : i64, sc.parallel_access}
      %dma_start3A_194 = arith.constant 0 : i32
      %dma_start3A_195 = tpu.memref_slice %arg7[%rem3A_168, %dma_start3A_194] : memref<2x4096xf32, #tpu.memory_space<vmem>> -> memref<1x4096xf32, #tpu.memory_space<vmem>>
      %dma_start3A_196 = tpu.memref_squeeze %dma_start3A_195 : memref<1x4096xf32, #tpu.memory_space<vmem>> -> memref<4096xf32, #tpu.memory_space<vmem>>
      %dma_start3A_197 = arith.constant 0 : i32
      %dma_start3A_198 = tpu.memref_slice %arg4[%scan3A_167, %add3A_106, %dma_start3A_197] : memref<50x64x4096xf32, #tpu.memory_space<hbm>> -> memref<1x1x4096xf32, #tpu.memory_space<hbm>>
      %dma_start3A_199 = tpu.memref_squeeze %dma_start3A_198 : memref<1x1x4096xf32, #tpu.memory_space<hbm>> -> memref<4096xf32, #tpu.memory_space<hbm>>
      %dma_start3A_200 = tpu.memref_slice %arg10[%rem3A_168] : memref<2x!tpu.dma_semaphore, #tpu.memory_space<semaphore_mem>> -> memref<1x!tpu.dma_semaphore, #tpu.memory_space<semaphore_mem>>
      %dma_start3A_201 = tpu.memref_squeeze %dma_start3A_200 : memref<1x!tpu.dma_semaphore, #tpu.memory_space<semaphore_mem>> -> memref<!tpu.dma_semaphore, #tpu.memory_space<semaphore_mem>>
      %dma_start3A_202 = arith.constant 0 : i32
      %dma_start3A_203 = tpu.memref_slice %arg4[%scan3A_167, %add3A_106, %dma_start3A_202] : memref<50x64x4096xf32, #tpu.memory_space<hbm>> -> memref<1x1x4096xf32, #tpu.memory_space<hbm>>
      %dma_start3A_204 = tpu.memref_squeeze %dma_start3A_203 : memref<1x1x4096xf32, #tpu.memory_space<hbm>> -> memref<4096xf32, #tpu.memory_space<hbm>>
      %dma_start3A_205 = arith.constant 0 : i32
      %dma_start3A_206 = tpu.memref_slice %arg7[%rem3A_168, %dma_start3A_205] : memref<2x4096xf32, #tpu.memory_space<vmem>> -> memref<1x4096xf32, #tpu.memory_space<vmem>>
      %dma_start3A_207 = tpu.memref_squeeze %dma_start3A_206 : memref<1x4096xf32, #tpu.memory_space<vmem>> -> memref<4096xf32, #tpu.memory_space<vmem>>
      tpu.enqueue_dma source(%dma_start3A_207 : memref<4096xf32, #tpu.memory_space<vmem>>) target(%dma_start3A_204 : memref<4096xf32, #tpu.memory_space<hbm>>) target_semaphore(%dma_start3A_201 : memref<!tpu.dma_semaphore, #tpu.memory_space<semaphore_mem>>)
    }
    %scan3A_132 = arith.constant 50 : i32
    %dma_wait3A_133 = arith.constant 0 : i32
    %dma_wait3A_134 = arith.constant 48 : i32
    %dma_wait3A_135 = arith.constant 0 : i32
    %dma_wait3A_136 = arith.constant 0 : i32
    %dma_wait3A_137 = tpu.memref_slice %arg7[%dma_wait3A_133, %dma_wait3A_136] : memref<2x4096xf32, #tpu.memory_space<vmem>> -> memref<1x4096xf32, #tpu.memory_space<vmem>>
    %dma_wait3A_138 = tpu.memref_squeeze %dma_wait3A_137 : memref<1x4096xf32, #tpu.memory_space<vmem>> -> memref<4096xf32, #tpu.memory_space<vmem>>
    %dma_wait3A_139 = arith.constant 0 : i32
    %dma_wait3A_140 = tpu.memref_slice %arg4[%dma_wait3A_134, %add3A_106, %dma_wait3A_139] : memref<50x64x4096xf32, #tpu.memory_space<hbm>> -> memref<1x1x4096xf32, #tpu.memory_space<hbm>>
    %dma_wait3A_141 = tpu.memref_squeeze %dma_wait3A_140 : memref<1x1x4096xf32, #tpu.memory_space<hbm>> -> memref<4096xf32, #tpu.memory_space<hbm>>
    %dma_wait3A_142 = tpu.memref_slice %arg10[%dma_wait3A_135] : memref<2x!tpu.dma_semaphore, #tpu.memory_space<semaphore_mem>> -> memref<1x!tpu.dma_semaphore, #tpu.memory_space<semaphore_mem>>
    %dma_wait3A_143 = tpu.memref_squeeze %dma_wait3A_142 : memref<1x!tpu.dma_semaphore, #tpu.memory_space<semaphore_mem>> -> memref<!tpu.dma_semaphore, #tpu.memory_space<semaphore_mem>>
    %dma_wait3A_144 = arith.constant 0 : i32
    %dma_wait3A_145 = tpu.memref_slice %arg4[%dma_wait3A_134, %add3A_106, %dma_wait3A_144] : memref<50x64x4096xf32, #tpu.memory_space<hbm>> -> memref<1x1x4096xf32, #tpu.memory_space<hbm>>
    %dma_wait3A_146 = tpu.memref_squeeze %dma_wait3A_145 : memref<1x1x4096xf32, #tpu.memory_space<hbm>> -> memref<4096xf32, #tpu.memory_space<hbm>>
    %dma_wait3A_147 = arith.constant 0 : i32
    %dma_wait3A_148 = tpu.memref_slice %arg7[%dma_wait3A_133, %dma_wait3A_147] : memref<2x4096xf32, #tpu.memory_space<vmem>> -> memref<1x4096xf32, #tpu.memory_space<vmem>>
    %dma_wait3A_149 = tpu.memref_squeeze %dma_wait3A_148 : memref<1x4096xf32, #tpu.memory_space<vmem>> -> memref<4096xf32, #tpu.memory_space<vmem>>
    tpu.wait_dma2 semaphore(%dma_wait3A_143 : memref<!tpu.dma_semaphore, #tpu.memory_space<semaphore_mem>>) src(%dma_wait3A_149 : memref<4096xf32, #tpu.memory_space<vmem>>) dst(%dma_wait3A_146 : memref<4096xf32, #tpu.memory_space<hbm>>)
    %dma_wait3A_150 = arith.constant 1 : i32
    %dma_wait3A_151 = arith.constant 49 : i32
    %dma_wait3A_152 = arith.constant 1 : i32
    %dma_wait3A_153 = arith.constant 0 : i32
    %dma_wait3A_154 = tpu.memref_slice %arg7[%dma_wait3A_150, %dma_wait3A_153] : memref<2x4096xf32, #tpu.memory_space<vmem>> -> memref<1x4096xf32, #tpu.memory_space<vmem>>
    %dma_wait3A_155 = tpu.memref_squeeze %dma_wait3A_154 : memref<1x4096xf32, #tpu.memory_space<vmem>> -> memref<4096xf32, #tpu.memory_space<vmem>>
    %dma_wait3A_156 = arith.constant 0 : i32
    %dma_wait3A_157 = tpu.memref_slice %arg4[%dma_wait3A_151, %add3A_106, %dma_wait3A_156] : memref<50x64x4096xf32, #tpu.memory_space<hbm>> -> memref<1x1x4096xf32, #tpu.memory_space<hbm>>
    %dma_wait3A_158 = tpu.memref_squeeze %dma_wait3A_157 : memref<1x1x4096xf32, #tpu.memory_space<hbm>> -> memref<4096xf32, #tpu.memory_space<hbm>>
    %dma_wait3A_159 = tpu.memref_slice %arg10[%dma_wait3A_152] : memref<2x!tpu.dma_semaphore, #tpu.memory_space<semaphore_mem>> -> memref<1x!tpu.dma_semaphore, #tpu.memory_space<semaphore_mem>>
    %dma_wait3A_160 = tpu.memref_squeeze %dma_wait3A_159 : memref<1x!tpu.dma_semaphore, #tpu.memory_space<semaphore_mem>> -> memref<!tpu.dma_semaphore, #tpu.memory_space<semaphore_mem>>
    %dma_wait3A_161 = arith.constant 0 : i32
    %dma_wait3A_162 = tpu.memref_slice %arg4[%dma_wait3A_151, %add3A_106, %dma_wait3A_161] : memref<50x64x4096xf32, #tpu.memory_space<hbm>> -> memref<1x1x4096xf32, #tpu.memory_space<hbm>>
    %dma_wait3A_163 = tpu.memref_squeeze %dma_wait3A_162 : memref<1x1x4096xf32, #tpu.memory_space<hbm>> -> memref<4096xf32, #tpu.memory_space<hbm>>
    %dma_wait3A_164 = arith.constant 0 : i32
    %dma_wait3A_165 = tpu.memref_slice %arg7[%dma_wait3A_150, %dma_wait3A_164] : memref<2x4096xf32, #tpu.memory_space<vmem>> -> memref<1x4096xf32, #tpu.memory_space<vmem>>
    %dma_wait3A_166 = tpu.memref_squeeze %dma_wait3A_165 : memref<1x4096xf32, #tpu.memory_space<vmem>> -> memref<4096xf32, #tpu.memory_space<vmem>>
    tpu.wait_dma2 semaphore(%dma_wait3A_160 : memref<!tpu.dma_semaphore, #tpu.memory_space<semaphore_mem>>) src(%dma_wait3A_166 : memref<4096xf32, #tpu.memory_space<vmem>>) dst(%dma_wait3A_163 : memref<4096xf32, #tpu.memory_space<hbm>>)
    return
  }
}

</mosaic_0001>

<sc_bundles>
// kernel: kernel.3.cloned.1.call-start
scs
__scs_entry_jumppad:
0x0: {  	(pc) =	sbr.rel $0x88, $3  }
0x1: {  	(tag) =	ssettag $0x0;
	lr =	simm.s32 $0x1  }
0x2: {  	[smem:$0x3F9F] =	sst lr;
	_ =	strace $0xD0000000  }
0x3: {  	_ = 	snop  }
0x4: {  	_ = 	snop  }
0x5: {  	_ = 	snop  }
0x6: {  	_ = 	snop  }
0x7: {  	_ = 	snop  }
__scs_overlays_trampoline_lowered:
0x8: {  	[smem:$0x3FAE] =	sst s0  }
0x9: {  	[smem:$0x3FAF] =	sst s1  }
0xa: {  	[smem:$0x3FB0] =	sst s2  }
0xb: {  	[smem:$0x3FB1] =	sst s3  }
0xc: {  	[smem:$0x3FB2] =	sst s4  }
0xd: {  	[smem:$0x3FB3] =	sst s5  }
0xe: {  	[smem:$0x3FB4] =	sst s6  }
0xf: {  	[smem:$0x3FB5] =	sst s7  }
0x10: {  	[smem:$0x3FB6] =	sst s8  }
0x11: {  	[smem:$0x3FB7] =	sst s9;
	s0 =	simm.s32 @!p0 $0x0  }
0x12: {  	s1 =	sld [smem:$0x3F9D];
	s0 =	simm.s32 @p0 $0x1  }
0x13: {  	[smem:$0x3FB8] =	sst s0;
	s0 =	simm.s32 @!p1 $0x0  }
0x14: {  	s2 =	sld [smem:$0x3F9C];
	s0 =	simm.s32 @p1 $0x1  }
0x15: {  	[smem:$0x3FB9] =	sst s0;
	s0 =	simm.s32 @!p2 $0x0  }
0x16: {  	s3 =	sld [smem:$0x3FDB];
	s0 =	simm.s32 @p2 $0x1  }
0x17: {  	s4 =	simm.s32 $0x1BF5;
	[smem:$0x3FBB] =	sst s0  }
0x18: {  	s0 =	sld [smem:$0x3F9E];
	_ =	swait.ge [sflag:s4], $0x0  }
0x19: {  	s7 =	sld [smem:$0x3F9F]  }
0x1a: {  	s8 =	sadd.s32 $0xFFFFE003, lr  }
0x1b: {  	s9 =	sadd.s32 $0xFFFFFEF7, lr;
	s5 =	simm.s32 $0xFFFFFFFF;
	p2 =	slt.u32 s8, $0xFFFFF086  }
0x1c: {  	p1 =	slt.u32 s9, $0xF7A;
	s5 =	simm.s32 @!p2 $0x0  }
0x1d: {  	s5 =	simm.s32 @p1 $0x1;
	p0 =	seq.s32 s7, s2  }
0x1e: {  	s7 =	smul.u32 @!p0 $0xF7A, s2;
	p2 =	seq.s32 @!p0 s5, $0x0  }
0x1f: {  	s9 =	smul.u32 $0xF7A, s1;
	s8 =	simm.s32 @!p0 $0x1BF5;
	p2 =	por !p2, p0  }
0x20: {  	[sflag:s8] =	ssyncset.s32 @!p0 $0xFFFFF086;
	s6 =	sadd.s32 @!p0 s3, s7;
	s7 =	simm.s32 @!p0 $0x108  }
0x21: {  	s3 =	sadd.s32 s3, s9;
	s6 =	sadd.s32 @!p0 $0x88, s6;
	s7 =	simm.s32 @p2 $0x1082  }
0x22: {  	[simem:s7], [sflag:s8] =	dma.local @!p0 [hbm:s6], $0xF7A  }
0x23: {  	s9 =	sor.u32 $0xD0000000, s2;
	s6 =	simm.s32 $0x108;
	_ =	swait.ge @!p0 [sflag:s8], $0x0  }
0x24: {  	s3 =	sadd.s32 $0x88, s3;
	s6 =	simm.s32 @!p1 $0x1082;
	[sflag:s4] =	ssyncset.s32 $0xFFFFF086  }
0x25: {  	[simem:s6], [sflag:s4] =	dma.local [hbm:s3], $0xF7A  }
0x26: {  	[smem:$0x3F9F] =	sst s1;
	(tag) =	ssettag s2;
	_ =	strace s9  }
0x27: {  	s1 =	sld [smem:$0x3FAF]  }
0x28: {  	s2 =	sld [smem:$0x3FB0]  }
0x29: {  	s4 =	sld [smem:$0x3FB2]  }
0x2a: {  	p0 =	seq.s32 s5, $0x0;
	s5 =	sld [smem:$0x3FB3]  }
0x2b: {  	s6 =	sld [smem:$0x3FB4]  }
0x2c: {  	s7 =	sld [smem:$0x3FB5]  }
0x2d: {  	s3 =	simm.s32 $0x108;
	s8 =	sld [smem:$0x3FB6]  }
0x2e: {  	s3 =	simm.s32 @!p0 $0x1082;
	s9 =	sld [smem:$0x3FB7]  }
0x2f: {  	lr =	sadd.s32 s0, s3;
	s0 =	sld [smem:$0x3FAE]  }
0x30: {  	s3 =	sld [smem:$0x3FB1]  }
0x31: {  	[smem:$0x3FBA] =	sst s10  }
0x32: {  	s10 =	sld [smem:$0x3FB8];
	_ =	sdelay $0x3  }
0x33: {  	p0 =	seq.s32 s10, $0x1;
	s10 =	sld [smem:$0x3FBA];
	_ =	sdelay $0x3  }
0x34: {  	[smem:$0x3FBA] =	sst s10  }
0x35: {  	s10 =	sld [smem:$0x3FB9];
	_ =	sdelay $0x3  }
0x36: {  	p1 =	seq.s32 s10, $0x1;
	s10 =	sld [smem:$0x3FBA];
	_ =	sdelay $0x3  }
0x37: {  	[smem:$0x3FBA] =	sst s10  }
0x38: {  	s10 =	sld [smem:$0x3FBB]  }
0x39: {  	_ = 	snop;
	(pc) =	sbr.ind lr, $3  }
0x3a: {  	_ = 	snop  }
0x3b: {  	_ = 	snop  }
0x3c: {  	p2 =	seq.s32 s10, $0x1;
	s10 =	sld [smem:$0x3FBA]  }
0x3d: {  	_ =	shalt  }
0x3e: {  	_ =	shalt  }
0x3f: {  	_ =	shalt  }
0x40: {  	_ =	shalt  }
0x41: {  	_ =	shalt  }
0x42: {  	_ =	shalt  }
0x43: {  	_ =	shalt  }
0x44: {  	_ =	shalt  }
0x45: {  	_ =	shalt  }
0x46: {  	_ =	shalt  }
0x47: {  	_ =	shalt  }
0x48: {  	_ =	shalt  }
0x49: {  	_ =	shalt  }
0x4a: {  	_ =	shalt  }
0x4b: {  	_ =	shalt  }
0x4c: {  	_ =	shalt  }
0x4d: {  	_ =	shalt  }
0x4e: {  	_ =	shalt  }
0x4f: {  	_ =	shalt  }
0x50: {  	_ =	shalt  }
0x51: {  	_ =	shalt  }
0x52: {  	_ =	shalt  }
0x53: {  	_ =	shalt  }
0x54: {  	_ =	shalt  }
0x55: {  	_ =	shalt  }
0x56: {  	_ =	shalt  }
0x57: {  	_ =	shalt  }
0x58: {  	_ =	shalt  }
0x59: {  	_ =	shalt  }
0x5a: {  	_ =	shalt  }
0x5b: {  	_ =	shalt  }
0x5c: {  	_ =	shalt  }
0x5d: {  	_ =	shalt  }
0x5e: {  	_ =	shalt  }
0x5f: {  	_ =	shalt  }
0x60: {  	_ =	shalt  }
0x61: {  	_ =	shalt  }
0x62: {  	_ =	shalt  }
0x63: {  	_ =	shalt  }
0x64: {  	_ =	shalt  }
0x65: {  	_ =	shalt  }
0x66: {  	_ =	shalt  }
0x67: {  	_ =	shalt  }
0x68: {  	_ =	shalt  }
0x69: {  	_ =	shalt  }
0x6a: {  	_ =	shalt  }
0x6b: {  	_ =	shalt  }
0x6c: {  	_ =	shalt  }
0x6d: {  	_ =	shalt  }
0x6e: {  	_ =	shalt  }
0x6f: {  	_ =	shalt  }
0x70: {  	_ =	shalt  }
0x71: {  	_ =	shalt  }
0x72: {  	_ =	shalt  }
0x73: {  	_ =	shalt  }
0x74: {  	_ =	shalt  }
0x75: {  	_ =	shalt  }
0x76: {  	_ =	shalt  }
0x77: {  	_ =	shalt  }
0x78: {  	_ =	shalt  }
0x79: {  	_ =	shalt  }
0x7a: {  	_ =	shalt  }
0x7b: {  	_ =	shalt  }
0x7c: {  	_ =	shalt  }
0x7d: {  	_ =	shalt  }
0x7e: {  	_ =	shalt  }
0x7f: {  	_ =	shalt  }
0x80: {  	_ =	shalt  }
0x81: {  	_ =	shalt  }
0x82: {  	_ =	shalt  }
0x83: {  	_ =	shalt  }
0x84: {  	_ =	shalt  }
0x85: {  	_ =	shalt  }
0x86: {  	_ =	shalt  }
0x87: {  	_ =	shalt  }
.Lfunc_end0:
.L_simem_size_0:
called_computation_lowered:
.L_overlay_start_0:
0x88: {  	s2 =	sld [smem:$0x3FD9]  }
0x89: {  	s3 =	sld [smem:$0x3FFE];
	_ =	sdelay $0x1  }
0x8a: {  	s1 =	srdreg.scid  }
0x8b: {  	s0 =	sand.u32 $0x1, s1  }
0x8c: {  	s18 =	sshll.u32 s0, $0xA;
	s2 =	sadd.s32 s3, s2  }
0x8d: {  	s2 =	sadd.s32 s2, s18  }
0x8e: {  	[smem:$0x3FC6] =	sst s2  }
0x8f: {  	_ = 	snop  }
0x90: {  	s2 =	sld [smem:$0x3FC9]  }
0x91: {  	s19 =	sld [smem:$0x3FC8]  }
0x92: {  	s4 =	sld [smem:$0x3FD0];
	(tm) =	ssettm $0x1  }
0x93: {  	s5 =	sld [smem:$0x3FFB];
	_ =	sdelay $0x3  }
0x94: {  	_ =	strace s5  }
0x95: {  	s5 =	sld [smem:$0x3FFC];
	_ =	sdelay $0x3  }
0x96: {  	_ =	strace s5  }
0x97: {  	s5 =	sld [smem:$0x3FFD];
	_ =	sdelay $0x3  }
0x98: {  	_ =	strace s5  }
0x99: {  	_ =	strace $0x8FFFFFFF  }
0x9a: {  	s20 =	sld [smem:$0x3FDB];
	_ =	sdelay $0x1  }
0x9b: {  	s6 =	simm.s32 $_scs_section_size  }
0x9c: {  	s7 =	simm.s32 $_size__tile_overlayer_lowered;
	s8 =	simm.s32 $_tile_overlayer_lowered  }
0x9d: {  	s23 =	simm.s32 $0x1BFF;
	s22 =	sshll.u32 s8, $0x1;
	s5 =	sadd.s32 s6, s20  }
0x9e: {  	s9 =	simm.s32 $0x0;
	s21 =	sshll.u32 s7, $0x1;
	s7 =	sadd.s32 s22, s5  }
0x9f: {  	[timem:s9], [sflag:s23] =	dma.local [hbm:s7], s21  }
0xa0: {  	_ =	swait.ge [sflag:s23], s21  }
0xa1: {  	s6 =	ssub.s32 $0x0, s21;
	[sflag:s23] =	ssyncset.done $0x0  }
0xa2: {  	[sflag:s23] =	ssyncadd.s32 s6;
	_ =	sdelay $0x1  }
0xa3: {  	s24 =	simm.s32 $0x1B8B  }
0xa4: {  	_ =	swait.ge [sflag:s24], $0x1  }
0xa5: {  	[sflag:s24] =	ssyncset.done $0x0  }
0xa6: {  	s25 =	simm.s32 $0x1B8E;
	[sflag:s24] =	ssyncadd.s32 $0xFFFFFFFF  }
0xa7: {  	s26 =	simm.s32 $execute0_lowered;
	[smem:$0x3FD2] =	sst s25  }
0xa8: {  	s6 =	sshll.u32 s26, $0x1;
	_ =	strace $0x80000046;
	[dreg:$0x1] =	wrdreg $0xFFFFFFFF  }
0xa9: {  	s28 =	simm.s32 $_size_execute0_lowered;
	s5 =	sadd.s32 s5, s6;
	[dreg:$0x0] =	wrdreg $0x0  }
0xaa: {  	s6 =	sshll.u32 s28, $0x1;
	[dreg:$0x2] =	wrdreg s5  }
0xab: {  	[dreg:$0x3] =	wrdreg s6  }
0xac: {  	[dreg:$0x4] =	wrdreg $0xC0  }
0xad: {  	_ =	task [dreg:s9], $0x5FFFF  }
0xae: {  	[dreg:$0x1] =	wrdreg $0xFFFFFFFF  }
0xaf: {  	[dreg:$0x0] =	wrdreg $0x60  }
0xb0: {  	[dreg:$0x2] =	wrdreg s2  }
0xb1: {  	[dreg:$0x3] =	wrdreg s19  }
0xb2: {  	[dreg:$0x4] =	wrdreg s4  }
0xb3: {  	[dreg:$0x5] =	wrdreg $0x1C7000  }
0xb4: {  	[dreg:$0x6] =	wrdreg $0x9  }
0xb5: {  	_ =	task.clear_ibuf [dreg:s9], $0x7FFFF;
	_ =	strace $0x90000046  }
0xb6: {  	s29 =	simm.s32 $0x9;
	_ =	strace $0x80000048  }
0xb7: {  	_ =	swait.ge [sflag:s29], $0x1  }
0xb8: {  	[sflag:s29] =	ssyncadd.s32 $0xFFFFFFFF  }
0xb9: {  	_ =	strace $0x90000048  }
0xba: {  	_ =	sfence  }
0xbb: {  	s30 =	sld [smem:$0x0];
	_ =	sdelay $0x2  }
0xbc: {  	s31 =	sshll.u32 s1, $0xD;
	s1 =	sshrl.u32 s1, $0x2  }
0xbd: {  	s3 =	sand.u32 $0x4000, s31;
	s1 =	sadd.s32 s1, s30  }
0xbe: {  	s0 =	sor.u32 s3, s0;
	s1 =	sshll.u32 s1, $0x11  }
0xbf: {  	s0 =	sor.u32 s1, s0  }
0xc0: {  	s0 =	sadd.s32 $0x8F2B, s0  }
0xc1: {  	[sflag:s0] =	ssyncadd.remote.s32 $0x1  }
0xc2: {  	_ =	sfence.sel $0xFFFF  }
0xc3: {  	[dreg:$0x0] =	wrdreg $0xFFFFFFFF;
	(pc) =	sbr.abs _section_cstart, $3  }
0xc4: {  	[dreg:$0x1] =	wrdreg $0xFFFFFFFF  }
0xc5: {  	_ =	task.clear_ibuf [dreg:s9], $0x2FFFF;
	_ =	strace $0x9FFFFFFF  }
0xc6: {  	(tm) =	ssettm $0x7FFFFFFF  }
0xc7: {  	_ =	shalt  }
tec
execute0_lowered:
.L_overlay_start_1:
0x0: {  	(tag) =	ssettag $0x1  }
0x1: {  	s0 =	rddreg [dreg:$0x0]  }
0x2: {  	s3 =	rddreg [dreg:$0x1]  }
0x3: {  	s1 =	rddreg [dreg:$0x2]  }
0x4: {  	s2 =	rddreg [dreg:$0x3];
	s4 =	simm.s32 $0x0  }
0x5: {  	s5 =	srdreg.scid;
	s16 =	stileid.u32;
	s28 =	simm.s32 $0x80  }
0x6: {  	s29 =	simm.s32 $0x6;
	s30 =	simm.s32 $0x5;
	s31 =	simm.s32 $0x3  }
0x7: {  	[smem:$0x7FF] =	sst s4;
	s6 =	sand.u32 $0x1, s5;
	s25 =	sshll.u32 s16, $0x9  }
0x8: {  	s7 =	sshrl.u32 s16, $0x1;
	s26 =	sshll.u32 s16, $0xC;
	s11 =	sshll.u32 s16, $0x7  }
0x9: {  	s17 =	sshll.u32 s16, $0x6;
	s20 =	sshll.u32 s16, $0x4;
	s23 =	sadd.s32 $0x80, s2  }
0xa: {  	s24 =	sadd.s32 $0x100, s2;
	p0 =	sgt.u32 s16, $0x1;
	s16 =	sadd.s32 $0x500, s2  }
0xb: {  	_ =	strace $0x80000047;
	s8 =	sshll.u32 s6, $0x8;
	s5 =	sand.u32 $0x200, s25  }
0xc: {  	s10 =	smul.u32 $0xC3800, s7;
	s6 =	ssub.s32 $0x2, s6;
	[dreg:$0xd] =	wrdreg s23  }
0xd: {  	s12 =	sor.u32 s11, s26;
	s14 =	sadd.s32 s26, s2;
	[dreg:$0xe] =	wrdreg s24  }
0xe: {  	s15 =	sor.u32 $0x10000, s26;
	s25 =	sadd.s32 $0x180, s2;
	[dreg:$0x19] =	wrdreg s16  }
0xf: {  	s23 =	sadd.s32 $0x880, s2;
	s24 =	sadd.s32 $0x900, s2;
	s5 =	sor.u32 s8, s5  }
0x10: {  	s13 =	sshrl.u32 s6, $0x1;
	s12 =	sand.u32 $0x8380, s12;
	[dreg:$0x6] =	wrdreg s14  }
0x11: {  	s18 =	sor.u32 s11, s15;
	s8 =	sor.u32 $0x20000, s26;
	[dreg:$0xf] =	wrdreg s25  }
0x12: {  	s15 =	sadd.s32 s15, s2;
	s26 =	sadd.s32 $0x200, s2;
	[smem:$0x7FA] =	sst s23  }
0x13: {  	[smem:$0x7FB] =	sst s24;
	s25 =	sadd.s32 $0x980, s2;
	s23 =	sadd.s32 $0xB00, s2  }
0x14: {  	s24 =	sadd.s32 $0xB80, s2;
	s9 =	sor.u32 s10, s5;
	s6 =	ssub.s32 s6, s13  }
0x15: {  	s13 =	sshrl.u32 s12, $0x3;
	s11 =	sor.u32 s11, s8;
	[dreg:$0x10] =	wrdreg s26  }
0x16: {  	s8 =	sadd.s32 s8, s2;
	[smem:$0x7FC] =	sst s25;
	s26 =	sadd.s32 $0xA00, s2  }
0x17: {  	s25 =	sadd.s32 $0xC00, s2;
	s22 =	smax.u32 s6, $0x1;
	[smem:$0x7FD] =	sst s26  }
0x18: {  	s9 =	sshrl.u32 s9, $0x3;
	s6 =	sadd.s32 $0x300, s2;
	[dreg:$0xc] =	wrdreg s22  }
0x19: {  	s11 =	sand.u32 $0x28380, s11;
	s9 =	sadd.s32 s3, s9;
	[dreg:$0x12] =	wrdreg s6  }
0x1a: {  	s11 =	sshrl.u32 s11, $0x3;
	s22 =	sadd.s32 $0x800, s2;
	[dreg:$0x5] =	wrdreg s9  }
0x1b: {  	s9 =	sadd.s32 s0, s13;
	s13 =	sand.u32 $0x18380, s18;
	[dreg:$0x1f] =	wrdreg s22  }
0x1c: {  	s11 =	sadd.s32 s0, s11;
	s18 =	sadd.s32 $0x600, s2;
	[dreg:$0x7] =	wrdreg s9  }
0x1d: {  	s19 =	sshrl.u32 s13, $0x3;
	[dreg:$0x9] =	wrdreg s11;
	s13 =	sadd.s32 $0x30000, s14  }
0x1e: {  	s14 =	sshll.u32 s7, $0xF;
	s7 =	sshrl.u32 s15, $0x3;
	[dreg:$0x1b] =	wrdreg s18  }
0x1f: {  	s26 =	sadd.s32 $0xF80, s2;
	s11 =	sadd.s32 $0x380, s2;
	[dreg:$0x13] =	wrdreg s7  }
0x20: {  	s22 =	sadd.s32 $0xF00, s2;
	s15 =	sadd.s32 $0x480, s2;
	[dreg:$0x16] =	wrdreg s11  }
0x21: {  	s9 =	sor.u32 $0x1C06, s17;
	s17 =	sadd.s32 $0x580, s2;
	[dreg:$0x18] =	wrdreg s15  }
0x22: {  	s18 =	sadd.s32 $0xD00, s2;
	s12 =	sadd.s32 s0, s19;
	[dreg:$0x1a] =	wrdreg s17  }
0x23: {  	s0 =	sadd.s32 s20, s0;
	s19 =	sadd.s32 $0x680, s2;
	[dreg:$0x8] =	wrdreg s12  }
0x24: {  	s20 =	sadd.s32 $0x700, s2;
	s12 =	sor.u32 $0x80, s5;
	[dreg:$0x1c] =	wrdreg s19  }
0x25: {  	s0 =	sadd.s32 $0x6000, s0;
	[dreg:$0x1d] =	wrdreg s20;
	s10 =	sor.u32 s10, s12  }
0x26: {  	[dreg:$0xa] =	wrdreg s0;
	s21 =	sshrl.u32 s10, $0x3;
	s10 =	sshrl.u32 s8, $0x3  }
0x27: {  	s7 =	sadd.s32 $0xA80, s2;
	s0 =	sadd.s32 s3, s21;
	[dreg:$0x14] =	wrdreg s10  }
0x28: {  	s17 =	sadd.s32 $0xC80, s2;
	s3 =	sadd.s32 $0x280, s2;
	[dreg:$0xb] =	wrdreg s0  }
0x29: {  	s19 =	sadd.s32 $0xD80, s2;
	s21 =	sadd.s32 $0x780, s2;
	[dreg:$0x11] =	wrdreg s3  }
0x2a: {  	s20 =	sadd.s32 $0xE00, s2;
	s0 =	sshrl.u32 @!p0 s13, $0x3;
	[dreg:$0x1e] =	wrdreg s21  }
0x2b: {  	s13 =	sadd.s32 $0x400, s2;
	s21 =	sadd.s32 $0xE80, s2;
	[dreg:$0x15] =	wrdreg s0  }
0x2c: {  	s3 =	simm.s32 $0x0;
	[dreg:$0x17] =	wrdreg s13;
	s0 =	simm.s32 $0x4  }
.LBB2_1:
0x2d: {  	s6 =	rddreg [dreg:$0x5]  }
0x2e: {  	s15 =	rddreg [dreg:$0x6]  }
0x2f: {  	s8 =	simm.s32 $0x400;
	s16 =	rddreg [dreg:$0x7]  }
0x30: {  	[tilespmem:s4], [sflag:$0x5] =	stream.strided.gather [hbm4b:s6+s28], $0x18700, s8, s28, $0x38;
	[tilespmem:$0x1F900] =	vst v63  }
0x31: {  	s10 =	simm.s32 $0x1;
	s11 =	simm.s32 $0x10;
	s6 =	sshrl.u32 s15, $0x3  }
0x32: {  	[spmem:s6@s11], [sflag:s9] =	dma.strided [hbm:s16@s28], $0x200, s10, $0x10   }
0x33: {  	_ =	swait.ge [sflag:s29], $0x200  }
0x34: {  	[sflag:s29] =	ssyncset.done $0x0;
	s8 =	rddreg [dreg:$0x8]  }
0x35: {  	s13 =	rddreg [dreg:$0x13];
	[sflag:s29] =	ssyncadd.s32 $0xFFFFFE00  }
0x36: {  	[spmem:s13@s11], [sflag:s9] =	dma.strided [hbm:s8@s28], $0x200, s10, $0x10   }
0x37: {  	_ =	swait.ge [sflag:s29], $0x200  }
0x38: {  	[sflag:s29] =	ssyncset.done $0x0;
	s15 =	rddreg [dreg:$0x9]  }
0x39: {  	s16 =	rddreg [dreg:$0x14];
	[sflag:s29] =	ssyncadd.s32 $0xFFFFFE00  }
0x3a: {  	[spmem:s16@s11], [sflag:s9] =	dma.strided [hbm:s15@s28], $0x200, s10, $0x10   }
0x3b: {  	s6 =	simm.s32 @!p0 $0x1;
	_ =	swait.ge [sflag:s29], $0x200  }
0x3c: {  	s8 =	simm.s32 @!p0 $0x10;
	[sflag:s29] =	ssyncset.done $0x0;
	s11 =	rddreg [dreg:$0xa]  }
0x3d: {  	s10 =	simm.s32 @!p0 $0x80;
	s13 =	rddreg [dreg:$0x15];
	[sflag:s29] =	ssyncadd.s32 $0xFFFFFE00  }
0x3e: {  	[spmem:s13@s8], [sflag:s9] =	dma.strided @!p0 [hbm:s11@s10], $0x200, s6, $0x10   }
0x3f: {  	s6 =	simm.s32 @!p0 $0x6  }
0x40: {  	_ =	swait.ge @!p0 [sflag:s6], $0x200  }
0x41: {  	[sflag:s6] =	ssyncset.done @!p0 $0x0  }
0x42: {  	[sflag:s6] =	ssyncadd.s32 @!p0 $0xFFFFFE00  }
0x43: {  	[bflag:$0x0] =	sbarrier.arrive $0xFFFF  }
0x44: {  	_ =	swait.ge [sflag:s30], $0x18700  }
0x45: {  	[sflag:s30] =	ssyncset.done $0x0  }
0x46: {  	s10 =	simm.s32 $0x18700;
	s11 =	rddreg [dreg:$0xd];
	[sflag:s30] =	ssyncadd.s32 $0xFFFE7900  }
0x47: {  	[tilespmem:s10], [sflag:$0x1] =	stream.linear.gather [spmem:s2], $0x80, $0x38;
	[tilespmem:$0x1F900] =	vst v63  }
0x48: {  	s13 =	simm.s32 $0x18800;
	s15 =	rddreg [dreg:$0xe]  }
0x49: {  	[tilespmem:s13], [sflag:$0x1] =	stream.linear.gather [spmem:s11], $0x80, $0x38;
	[tilespmem:$0x1F900] =	vst v63  }
0x4a: {  	s16 =	simm.s32 $0x18900;
	s8 =	rddreg [dreg:$0xf]  }
0x4b: {  	[tilespmem:s16], [sflag:$0x1] =	stream.linear.gather [spmem:s15], $0x80, $0x38;
	[tilespmem:$0x1F900] =	vst v63  }
0x4c: {  	s10 =	simm.s32 $0x18A00;
	s11 =	rddreg [dreg:$0x10]  }
0x4d: {  	[tilespmem:s10], [sflag:$0x1] =	stream.linear.gather [spmem:s8], $0x80, $0x38;
	[tilespmem:$0x1F900] =	vst v63  }
0x4e: {  	s13 =	simm.s32 $0x18B00;
	s15 =	rddreg [dreg:$0x11]  }
0x4f: {  	[tilespmem:s13], [sflag:$0x1] =	stream.linear.gather [spmem:s11], $0x80, $0x38;
	[tilespmem:$0x1F900] =	vst v63  }
0x50: {  	s16 =	simm.s32 $0x18C00;
	s8 =	rddreg [dreg:$0x12]  }
0x51: {  	[tilespmem:s16], [sflag:$0x1] =	stream.linear.gather [spmem:s15], $0x80, $0x38;
	[tilespmem:$0x1F900] =	vst v63  }
0x52: {  	s10 =	simm.s32 $0x18D00;
	s11 =	rddreg [dreg:$0x16]  }
0x53: {  	[tilespmem:s10], [sflag:$0x1] =	stream.linear.gather [spmem:s8], $0x80, $0x38;
	[tilespmem:$0x1F900] =	vst v63  }
0x54: {  	s13 =	simm.s32 $0x18E00;
	s15 =	rddreg [dreg:$0x17]  }
0x55: {  	[tilespmem:s13], [sflag:$0x1] =	stream.linear.gather [spmem:s11], $0x80, $0x38;
	[tilespmem:$0x1F900] =	vst v63  }
0x56: {  	s16 =	simm.s32 $0x18F00;
	s8 =	rddreg [dreg:$0x18]  }
0x57: {  	[tilespmem:s16], [sflag:$0x1] =	stream.linear.gather [spmem:s15], $0x80, $0x38;
	[tilespmem:$0x1F900] =	vst v63  }
0x58: {  	s10 =	simm.s32 $0x19000;
	s11 =	rddreg [dreg:$0x19]  }
0x59: {  	[tilespmem:s10], [sflag:$0x1] =	stream.linear.gather [spmem:s8], $0x80, $0x38;
	[tilespmem:$0x1F900] =	vst v63  }
0x5a: {  	s13 =	simm.s32 $0x19100;
	s15 =	rddreg [dreg:$0x1a]  }
0x5b: {  	[tilespmem:s13], [sflag:$0x1] =	stream.linear.gather [spmem:s11], $0x80, $0x38;
	[tilespmem:$0x1F900] =	vst v63  }
0x5c: {  	s16 =	simm.s32 $0x19200;
	s8 =	rddreg [dreg:$0x1b]  }
0x5d: {  	[tilespmem:s16], [sflag:$0x1] =	stream.linear.gather [spmem:s15], $0x80, $0x38;
	[tilespmem:$0x1F900] =	vst v63  }
0x5e: {  	s10 =	simm.s32 $0x19300;
	s11 =	rddreg [dreg:$0x1c]  }
0x5f: {  	[tilespmem:s10], [sflag:$0x1] =	stream.linear.gather [spmem:s8], $0x80, $0x38;
	[tilespmem:$0x1F900] =	vst v63  }
0x60: {  	s13 =	simm.s32 $0x19400;
	s15 =	rddreg [dreg:$0x1d]  }
0x61: {  	[tilespmem:s13], [sflag:$0x1] =	stream.linear.gather [spmem:s11], $0x80, $0x38;
	[tilespmem:$0x1F900] =	vst v63  }
0x62: {  	s16 =	simm.s32 $0x19500;
	s8 =	rddreg [dreg:$0x1e]  }
0x63: {  	[tilespmem:s16], [sflag:$0x1] =	stream.linear.gather [spmem:s15], $0x80, $0x38;
	[tilespmem:$0x1F900] =	vst v63  }
0x64: {  	s10 =	simm.s32 $0x19600;
	s11 =	rddreg [dreg:$0x1f]  }
0x65: {  	[tilespmem:s10], [sflag:$0x1] =	stream.linear.gather [spmem:s8], $0x80, $0x38;
	[tilespmem:$0x1F900] =	vst v63  }
0x66: {  	s13 =	simm.s32 $0x19700;
	s15 =	sld [smem:$0x7FA]  }
0x67: {  	[tilespmem:s13], [sflag:$0x1] =	stream.linear.gather [spmem:s11], $0x80, $0x38;
	[tilespmem:$0x1F900] =	vst v63  }
0x68: {  	s16 =	simm.s32 $0x19800;
	s8 =	sld [smem:$0x7FB]  }
0x69: {  	[tilespmem:s16], [sflag:$0x1] =	stream.linear.gather [spmem:s15], $0x80, $0x38;
	[tilespmem:$0x1F900] =	vst v63  }
0x6a: {  	s10 =	simm.s32 $0x19900;
	s11 =	sld [smem:$0x7FC]  }
0x6b: {  	[tilespmem:s10], [sflag:$0x1] =	stream.linear.gather [spmem:s8], $0x80, $0x38;
	[tilespmem:$0x1F900] =	vst v63  }
0x6c: {  	s13 =	simm.s32 $0x19A00;
	s15 =	sld [smem:$0x7FD]  }
0x6d: {  	[tilespmem:s13], [sflag:$0x1] =	stream.linear.gather [spmem:s11], $0x80, $0x38;
	[tilespmem:$0x1F900] =	vst v63  }
0x6e: {  	s16 =	simm.s32 $0x19B00  }
0x6f: {  	[tilespmem:s16], [sflag:$0x1] =	stream.linear.gather [spmem:s15], $0x80, $0x38;
	[tilespmem:$0x1F900] =	vst v63  }
0x70: {  	s10 =	simm.s32 $0x19C00  }
0x71: {  	[tilespmem:s10], [sflag:$0x1] =	stream.linear.gather [spmem:s7], $0x80, $0x38;
	[tilespmem:$0x1F900] =	vst v63  }
0x72: {  	s11 =	simm.s32 $0x19D00  }
0x73: {  	[tilespmem:s11], [sflag:$0x1] =	stream.linear.gather [spmem:s23], $0x80, $0x38;
	[tilespmem:$0x1F900] =	vst v63  }
0x74: {  	s13 =	simm.s32 $0x19E00  }
0x75: {  	[tilespmem:s13], [sflag:$0x1] =	stream.linear.gather [spmem:s24], $0x80, $0x38;
	[tilespmem:$0x1F900] =	vst v63  }
0x76: {  	s15 =	simm.s32 $0x19F00  }
0x77: {  	[tilespmem:s15], [sflag:$0x1] =	stream.linear.gather [spmem:s25], $0x80, $0x38;
	[tilespmem:$0x1F900] =	vst v63  }
0x78: {  	s16 =	simm.s32 $0x1A000  }
0x79: {  	[tilespmem:s16], [sflag:$0x1] =	stream.linear.gather [spmem:s17], $0x80, $0x38;
	[tilespmem:$0x1F900] =	vst v63  }
0x7a: {  	s8 =	simm.s32 $0x1A100  }
0x7b: {  	[tilespmem:s8], [sflag:$0x1] =	stream.linear.gather [spmem:s18], $0x80, $0x38;
	[tilespmem:$0x1F900] =	vst v63  }
0x7c: {  	s10 =	simm.s32 $0x1A200  }
0x7d: {  	[tilespmem:s10], [sflag:$0x1] =	stream.linear.gather [spmem:s19], $0x80, $0x38;
	[tilespmem:$0x1F900] =	vst v63  }
0x7e: {  	s11 =	simm.s32 $0x1A300  }
0x7f: {  	[tilespmem:s11], [sflag:$0x1] =	stream.linear.gather [spmem:s20], $0x80, $0x38;
	[tilespmem:$0x1F900] =	vst v63  }
0x80: {  	s13 =	simm.s32 $0x1A400  }
0x81: {  	[tilespmem:s13], [sflag:$0x1] =	stream.linear.gather [spmem:s21], $0x80, $0x38;
	[tilespmem:$0x1F900] =	vst v63  }
0x82: {  	s15 =	simm.s32 $0x1A500  }
0x83: {  	[tilespmem:s15], [sflag:$0x1] =	stream.linear.gather [spmem:s22], $0x80, $0x38;
	[tilespmem:$0x1F900] =	vst v63  }
0x84: {  	p1 =	por $0x0, $0x0;
	s16 =	simm.s32 $0x1A600;
	s8 =	simm.s32 $0x0  }
0x85: {  	[tilespmem:s16], [sflag:$0x1] =	stream.linear.gather [spmem:s26], $0x80, $0x38;
	[tilespmem:$0x1F900] =	vst v63  }
.LBB2_3:
0x86: {  	p2 =	seq.s32 s8, $0x31  }
.Ltmp0:
0x87: {  	_ = 	snop;
	(pc) =	sbr.rel @p2 .LBB2_5-.Ltmp0, $2  }
0x88: {  	_ =	sdelay $0x2  }
0x89: {  	s6 =	sadd.s32 $0x1, s8  }
0x8a: {  	s10 =	sshll.u32 s6, $0x7;
	s11 =	sshll.u32 s6, $0xC  }
0x8b: {  	s13 =	sand.u32 $0x1, s6;
	s10 =	sand.u32 $0x80, s10;
	s15 =	sand.u32 $0x3FFFF000, s11  }
0x8c: {  	s11 =	sadd.s32 $0x1, s13;
	s16 =	sor.u32 $0x18700, s10;
	s13 =	sadd.s32 s15, s2  }
0x8d: {  	[tilespmem:s16], [sflag:s11] =	stream.linear.gather [spmem:s13], $0x80, $0x38;
	[tilespmem:$0x1F900] =	vst v63  }
0x8e: {  	s15 =	sadd.s32 $0x80, s13;
	s16 =	sor.u32 $0x18800, s10  }
0x8f: {  	[tilespmem:s16], [sflag:s11] =	stream.linear.gather [spmem:s15], $0x80, $0x38;
	[tilespmem:$0x1F900] =	vst v63  }
0x90: {  	s15 =	sadd.s32 $0x100, s13;
	s16 =	sor.u32 $0x18900, s10  }
0x91: {  	[tilespmem:s16], [sflag:s11] =	stream.linear.gather [spmem:s15], $0x80, $0x38;
	[tilespmem:$0x1F900] =	vst v63  }
0x92: {  	s15 =	sadd.s32 $0x180, s13;
	s16 =	sor.u32 $0x18A00, s10  }
0x93: {  	[tilespmem:s16], [sflag:s11] =	stream.linear.gather [spmem:s15], $0x80, $0x38;
	[tilespmem:$0x1F900] =	vst v63  }
0x94: {  	s15 =	sadd.s32 $0x200, s13;
	s16 =	sor.u32 $0x18B00, s10  }
0x95: {  	[tilespmem:s16], [sflag:s11] =	stream.linear.gather [spmem:s15], $0x80, $0x38;
	[tilespmem:$0x1F900] =	vst v63  }
0x96: {  	s15 =	sadd.s32 $0x280, s13;
	s16 =	sor.u32 $0x18C00, s10  }
0x97: {  	[tilespmem:s16], [sflag:s11] =	stream.linear.gather [spmem:s15], $0x80, $0x38;
	[tilespmem:$0x1F900] =	vst v63  }
0x98: {  	s15 =	sadd.s32 $0x300, s13;
	s16 =	sor.u32 $0x18D00, s10  }
0x99: {  	[tilespmem:s16], [sflag:s11] =	stream.linear.gather [spmem:s15], $0x80, $0x38;
	[tilespmem:$0x1F900] =	vst v63  }
0x9a: {  	s15 =	sadd.s32 $0x380, s13;
	s16 =	sor.u32 $0x18E00, s10  }
0x9b: {  	[tilespmem:s16], [sflag:s11] =	stream.linear.gather [spmem:s15], $0x80, $0x38;
	[tilespmem:$0x1F900] =	vst v63  }
0x9c: {  	s15 =	sadd.s32 $0x400, s13;
	s16 =	sor.u32 $0x18F00, s10  }
0x9d: {  	[tilespmem:s16], [sflag:s11] =	stream.linear.gather [spmem:s15], $0x80, $0x38;
	[tilespmem:$0x1F900] =	vst v63  }
0x9e: {  	s15 =	sadd.s32 $0x480, s13;
	s16 =	sor.u32 $0x19000, s10  }
0x9f: {  	[tilespmem:s16], [sflag:s11] =	stream.linear.gather [spmem:s15], $0x80, $0x38;
	[tilespmem:$0x1F900] =	vst v63  }
0xa0: {  	s15 =	sadd.s32 $0x500, s13;
	s16 =	sor.u32 $0x19100, s10  }
0xa1: {  	[tilespmem:s16], [sflag:s11] =	stream.linear.gather [spmem:s15], $0x80, $0x38;
	[tilespmem:$0x1F900] =	vst v63  }
0xa2: {  	s15 =	sadd.s32 $0x580, s13;
	s16 =	sor.u32 $0x19200, s10  }
0xa3: {  	[tilespmem:s16], [sflag:s11] =	stream.linear.gather [spmem:s15], $0x80, $0x38;
	[tilespmem:$0x1F900] =	vst v63  }
0xa4: {  	s15 =	sadd.s32 $0x600, s13;
	s16 =	sor.u32 $0x19300, s10  }
0xa5: {  	[tilespmem:s16], [sflag:s11] =	stream.linear.gather [spmem:s15], $0x80, $0x38;
	[tilespmem:$0x1F900] =	vst v63  }
0xa6: {  	s15 =	sadd.s32 $0x680, s13;
	s16 =	sor.u32 $0x19400, s10  }
0xa7: {  	[tilespmem:s16], [sflag:s11] =	stream.linear.gather [spmem:s15], $0x80, $0x38;
	[tilespmem:$0x1F900] =	vst v63  }
0xa8: {  	s15 =	sadd.s32 $0x700, s13;
	s16 =	sor.u32 $0x19500, s10  }
0xa9: {  	[tilespmem:s16], [sflag:s11] =	stream.linear.gather [spmem:s15], $0x80, $0x38;
	[tilespmem:$0x1F900] =	vst v63  }
0xaa: {  	s15 =	sadd.s32 $0x780, s13;
	s16 =	sor.u32 $0x19600, s10  }
0xab: {  	[tilespmem:s16], [sflag:s11] =	stream.linear.gather [spmem:s15], $0x80, $0x38;
	[tilespmem:$0x1F900] =	vst v63  }
0xac: {  	s15 =	sadd.s32 $0x800, s13;
	s16 =	sor.u32 $0x19700, s10  }
0xad: {  	[tilespmem:s16], [sflag:s11] =	stream.linear.gather [spmem:s15], $0x80, $0x38;
	[tilespmem:$0x1F900] =	vst v63  }
0xae: {  	s15 =	sadd.s32 $0x880, s13;
	s16 =	sor.u32 $0x19800, s10  }
0xaf: {  	[tilespmem:s16], [sflag:s11] =	stream.linear.gather [spmem:s15], $0x80, $0x38;
	[tilespmem:$0x1F900] =	vst v63  }
0xb0: {  	s15 =	sadd.s32 $0x900, s13;
	s16 =	sor.u32 $0x19900, s10  }
0xb1: {  	[tilespmem:s16], [sflag:s11] =	stream.linear.gather [spmem:s15], $0x80, $0x38;
	[tilespmem:$0x1F900] =	vst v63  }
0xb2: {  	s15 =	sadd.s32 $0x980, s13;
	s16 =	sor.u32 $0x19A00, s10  }
0xb3: {  	[tilespmem:s16], [sflag:s11] =	stream.linear.gather [spmem:s15], $0x80, $0x38;
	[tilespmem:$0x1F900] =	vst v63  }
0xb4: {  	s15 =	sadd.s32 $0xA00, s13;
	s16 =	sor.u32 $0x19B00, s10  }
0xb5: {  	[tilespmem:s16], [sflag:s11] =	stream.linear.gather [spmem:s15], $0x80, $0x38;
	[tilespmem:$0x1F900] =	vst v63  }
0xb6: {  	s15 =	sadd.s32 $0xA80, s13;
	s16 =	sor.u32 $0x19C00, s10  }
0xb7: {  	[tilespmem:s16], [sflag:s11] =	stream.linear.gather [spmem:s15], $0x80, $0x38;
	[tilespmem:$0x1F900] =	vst v63  }
0xb8: {  	s15 =	sadd.s32 $0xB00, s13;
	s16 =	sor.u32 $0x19D00, s10  }
0xb9: {  	[tilespmem:s16], [sflag:s11] =	stream.linear.gather [spmem:s15], $0x80, $0x38;
	[tilespmem:$0x1F900] =	vst v63  }
0xba: {  	s15 =	sadd.s32 $0xB80, s13;
	s16 =	sor.u32 $0x19E00, s10  }
0xbb: {  	[tilespmem:s16], [sflag:s11] =	stream.linear.gather [spmem:s15], $0x80, $0x38;
	[tilespmem:$0x1F900] =	vst v63  }
0xbc: {  	s15 =	sadd.s32 $0xC00, s13;
	s16 =	sor.u32 $0x19F00, s10  }
0xbd: {  	[tilespmem:s16], [sflag:s11] =	stream.linear.gather [spmem:s15], $0x80, $0x38;
	[tilespmem:$0x1F900] =	vst v63  }
0xbe: {  	s15 =	sadd.s32 $0xC80, s13;
	s16 =	sor.u32 $0x1A000, s10  }
0xbf: {  	[tilespmem:s16], [sflag:s11] =	stream.linear.gather [spmem:s15], $0x80, $0x38;
	[tilespmem:$0x1F900] =	vst v63  }
0xc0: {  	s15 =	sadd.s32 $0xD00, s13;
	s16 =	sor.u32 $0x1A100, s10  }
0xc1: {  	[tilespmem:s16], [sflag:s11] =	stream.linear.gather [spmem:s15], $0x80, $0x38;
	[tilespmem:$0x1F900] =	vst v63  }
0xc2: {  	s15 =	sadd.s32 $0xD80, s13;
	s16 =	sor.u32 $0x1A200, s10  }
0xc3: {  	[tilespmem:s16], [sflag:s11] =	stream.linear.gather [spmem:s15], $0x80, $0x38;
	[tilespmem:$0x1F900] =	vst v63  }
0xc4: {  	s15 =	sadd.s32 $0xE00, s13;
	s16 =	sor.u32 $0x1A300, s10  }
0xc5: {  	[tilespmem:s16], [sflag:s11] =	stream.linear.gather [spmem:s15], $0x80, $0x38;
	[tilespmem:$0x1F900] =	vst v63  }
0xc6: {  	s15 =	sadd.s32 $0xE80, s13;
	s16 =	sor.u32 $0x1A400, s10  }
0xc7: {  	[tilespmem:s16], [sflag:s11] =	stream.linear.gather [spmem:s15], $0x80, $0x38;
	[tilespmem:$0x1F900] =	vst v63  }
0xc8: {  	s15 =	sadd.s32 $0xF00, s13;
	s16 =	sor.u32 $0x1A500, s10  }
0xc9: {  	[tilespmem:s16], [sflag:s11] =	stream.linear.gather [spmem:s15], $0x80, $0x38;
	[tilespmem:$0x1F900] =	vst v63  }
0xca: {  	s13 =	sadd.s32 $0xF80, s13;
	s10 =	sor.u32 $0x1A600, s10  }
0xcb: {  	[tilespmem:s10], [sflag:s11] =	stream.linear.gather [spmem:s13], $0x80, $0x38;
	[tilespmem:$0x1F900] =	vst v63  }
.LBB2_5:
0xcc: {  	s10 =	sand.u32 $0x1, s8  }
0xcd: {  	s11 =	sadd.s32 $0x1, s10  }
0xce: {  	_ =	swait.ge [sflag:s11], $0x1000  }
0xcf: {  	p2 =	slt.u32 s8, $0x2;
	[sflag:s11] =	ssyncset.done $0x0  }
0xd0: {  	s13 =	simm.s32 $0x1;
	[sflag:s11] =	ssyncadd.s32 $0xFFFFF000;
	s11 =	sadd.s32 @!p2 $0x3, s10  }
0xd1: {  	s13 =	simm.s32 @!p1 $0x0;
	_ =	swait.ge @!p2 [sflag:s11], $0x1000  }
0xd2: {  	s13 =	sshll.u32 s13, $0x7;
	[sflag:s11] =	ssyncset.done @!p2 $0x0  }
0xd3: {  	s16 =	sor.u32 $0x18900, s13;
	[sflag:s11] =	ssyncadd.s32 @!p2 $0xFFFFF000  }
0xd4: {  	v0 =	vld [tilespmem:s16+$0x170]  }
0xd5: {  	v1 =	vld [tilespmem:s16+$0xFFFFFE10]  }
0xd6: {  	v2 =	vld [tilespmem:s16+$0xFFFFFE20]  }
0xd7: {  	v3 =	vld [tilespmem:s16+$0xFFFFFE30]  }
0xd8: {  	v4 =	vld [tilespmem:s16+$0xFFFFFE40]  }
0xd9: {  	v5 =	vld [tilespmem:s16+$0xFFFFFE50]  }
0xda: {  	v6 =	vld [tilespmem:s16+$0xFFFFFE60]  }
0xdb: {  	v7 =	vld [tilespmem:s16+$0xFFFFFE70]  }
0xdc: {  	v8 =	vld [tilespmem:s16+$0xFFFFFF00]  }
0xdd: {  	v9 =	vld [tilespmem:s16+$0xFFFFFF10]  }
0xde: {  	v10 =	vld [tilespmem:s16+$0xFFFFFF20]  }
0xdf: {  	v11 =	vld [tilespmem:s16+$0xFFFFFF30]  }
0xe0: {  	v12 =	vld [tilespmem:s16+$0xFFFFFF40]  }
0xe1: {  	v13 =	vld [tilespmem:s16+$0xFFFFFF50]  }
0xe2: {  	v14 =	vld [tilespmem:s16+$0xFFFFFF60]  }
0xe3: {  	v15 =	vld [tilespmem:s16+$0xFFFFFF70]  }
0xe4: {  	v16 =	vld [tilespmem:s16+$0x0]  }
0xe5: {  	v17 =	vld [tilespmem:s16+$0x10]  }
0xe6: {  	v18 =	vld [tilespmem:s16+$0x20]  }
0xe7: {  	v19 =	vld [tilespmem:s16+$0x30]  }
0xe8: {  	v20 =	vld [tilespmem:s16+$0x40]  }
0xe9: {  	v21 =	vld [tilespmem:s16+$0x50]  }
0xea: {  	v22 =	vld [tilespmem:s16+$0x60]  }
0xeb: {  	v23 =	vld [tilespmem:s16+$0x70]  }
0xec: {  	v24 =	vld [tilespmem:s16+$0x100]  }
0xed: {  	v25 =	vld [tilespmem:s16+$0x110]  }
0xee: {  	v26 =	vld [tilespmem:s16+$0x120]  }
0xef: {  	v27 =	vld [tilespmem:s16+$0x130]  }
0xf0: {  	v28 =	vld [tilespmem:s16+$0x140]  }
0xf1: {  	v29 =	vld [tilespmem:s16+$0x150]  }
0xf2: {  	v30 =	vld [tilespmem:s16+$0x160]  }
0xf3: {  	v31 =	vld [tilespmem:s16+$0xFFFFFE00]  }
0xf4: {  	v0 =	vld.idx.msk [tilespmem:v0+s4+$0x0], $0xffff  }
0xf5: {  	v1 =	vld.idx.msk [tilespmem:v1+s4+$0x0], $0xffff  }
0xf6: {  	v2 =	vld.idx.msk [tilespmem:v2+s4+$0x0], $0xffff  }
0xf7: {  	v3 =	vld.idx.msk [tilespmem:v3+s4+$0x0], $0xffff  }
0xf8: {  	v4 =	vld.idx.msk [tilespmem:v4+s4+$0x0], $0xffff  }
0xf9: {  	s11 =	sor.u32 $0x1A900, s13;
	v5 =	vld.idx.msk [tilespmem:v5+s4+$0x0], $0xffff  }
0xfa: {  	v63 =	vld.idx.msk [tilespmem:v24+s4+$0x0], $0xffff;
	[tilespmem:s11+$0x170] =	vst v0  }
0xfb: {  	v0 =	vld.idx.msk [tilespmem:v6+s4+$0x0], $0xffff;
	[tilespmem:s11+$0xFFFFFE10] =	vst v1  }
0xfc: {  	v1 =	vld.idx.msk [tilespmem:v7+s4+$0x0], $0xffff;
	[tilespmem:s11+$0xFFFFFE20] =	vst v2  }
0xfd: {  	v6 =	vld.idx.msk [tilespmem:v31+s4+$0x0], $0xffff;
	[tilespmem:s11+$0xFFFFFE30] =	vst v3  }
0xfe: {  	v2 =	vld.idx.msk [tilespmem:v8+s4+$0x0], $0xffff;
	[tilespmem:s11+$0xFFFFFE40] =	vst v4  }
0xff: {  	v3 =	vld.idx.msk [tilespmem:v9+s4+$0x0], $0xffff;
	[tilespmem:s11+$0xFFFFFE50] =	vst v5  }
0x100: {  	v4 =	vld.idx.msk [tilespmem:v10+s4+$0x0], $0xffff;
	[tilespmem:s11+$0x100] =	vst v63  }
0x101: {  	v5 =	vld.idx.msk [tilespmem:v13+s4+$0x0], $0xffff;
	[tilespmem:s11+$0xFFFFFE60] =	vst v0  }
0x102: {  	v7 =	vld.idx.msk [tilespmem:v23+s4+$0x0], $0xffff;
	[tilespmem:s11+$0xFFFFFE70] =	vst v1  }
0x103: {  	v0 =	vld.idx.msk [tilespmem:v11+s4+$0x0], $0xffff;
	[tilespmem:s11+$0xFFFFFE00] =	vst v6  }
0x104: {  	v1 =	vld.idx.msk [tilespmem:v12+s4+$0x0], $0xffff;
	[tilespmem:s11+$0xFFFFFF00] =	vst v2  }
0x105: {  	v2 =	vld.idx.msk [tilespmem:v14+s4+$0x0], $0xffff;
	[tilespmem:s11+$0xFFFFFF10] =	vst v3  }
0x106: {  	v3 =	vld.idx.msk [tilespmem:v15+s4+$0x0], $0xffff;
	[tilespmem:s11+$0xFFFFFF20] =	vst v4  }
0x107: {  	v4 =	vld.idx.msk [tilespmem:v16+s4+$0x0], $0xffff;
	[tilespmem:s11+$0xFFFFFF50] =	vst v5  }
0x108: {  	v5 =	vld.idx.msk [tilespmem:v19+s4+$0x0], $0xffff;
	[tilespmem:s11+$0x70] =	vst v7  }
0x109: {  	v6 =	vld.idx.msk [tilespmem:v22+s4+$0x0], $0xffff;
	[tilespmem:s11+$0xFFFFFF30] =	vst v0  }
0x10a: {  	v0 =	vld.idx.msk [tilespmem:v17+s4+$0x0], $0xffff;
	[tilespmem:s11+$0xFFFFFF40] =	vst v1  }
0x10b: {  	v1 =	vld.idx.msk [tilespmem:v18+s4+$0x0], $0xffff;
	[tilespmem:s11+$0xFFFFFF60] =	vst v2  }
0x10c: {  	v2 =	vld.idx.msk [tilespmem:v20+s4+$0x0], $0xffff;
	[tilespmem:s11+$0xFFFFFF70] =	vst v3  }
0x10d: {  	v3 =	vld.idx.msk [tilespmem:v21+s4+$0x0], $0xffff;
	[tilespmem:s11+$0x0] =	vst v4  }
0x10e: {  	[tilespmem:s11+$0x30] =	vst v5;
	v4 =	vld.idx.msk [tilespmem:v25+s4+$0x0], $0xffff  }
0x10f: {  	[tilespmem:s11+$0x60] =	vst v6;
	v5 =	vld.idx.msk [tilespmem:v30+s4+$0x0], $0xffff  }
0x110: {  	[tilespmem:s11+$0x10] =	vst v0;
	v0 =	vld.idx.msk [tilespmem:v26+s4+$0x0], $0xffff  }
0x111: {  	[tilespmem:s11+$0x20] =	vst v1;
	v1 =	vld.idx.msk [tilespmem:v27+s4+$0x0], $0xffff  }
0x112: {  	[tilespmem:s11+$0x40] =	vst v2;
	v2 =	vld.idx.msk [tilespmem:v28+s4+$0x0], $0xffff  }
0x113: {  	s15 =	simm.s32 $0x0;
	s13 =	sor.u32 $0x1A700, s13;
	s16 =	sadd.s32 $0x400, s16;
	[tilespmem:s11+$0x50] =	vst v3;
	v3 =	vld.idx.msk [tilespmem:v29+s4+$0x0], $0xffff  }
.LBB2_6:
0x114: {  	v6 =	vld [tilespmem:s16+$0x170];
	s15 =	sadd.s32 $0x200, s15;
	[tilespmem:s11+$0x110] =	vst v4  }
0x115: {  	v4 =	vld [tilespmem:s16+$0xFFFFFE10];
	p2 =	slt.u32 s15, $0xE00;
	[tilespmem:s11+$0x120] =	vst v0  }
0x116: {  	v0 =	vld [tilespmem:s16+$0xFFFFFE20];
	[tilespmem:s11+$0x130] =	vst v1  }
0x117: {  	v1 =	vld [tilespmem:s16+$0xFFFFFE30];
	[tilespmem:s11+$0x140] =	vst v2  }
0x118: {  	v2 =	vld [tilespmem:s16+$0xFFFFFE40];
	[tilespmem:s11+$0x150] =	vst v3  }
0x119: {  	v3 =	vld [tilespmem:s16+$0xFFFFFE50];
	[tilespmem:s11+$0x160] =	vst v5  }
0x11a: {  	v5 =	vld [tilespmem:s16+$0xFFFFFE60]  }
0x11b: {  	v7 =	vld [tilespmem:s16+$0xFFFFFE70]  }
0x11c: {  	v6 =	vld.idx.msk [tilespmem:v6+s4+$0x0], $0xffff  }
0x11d: {  	v8 =	vld [tilespmem:s16+$0xFFFFFF00]  }
0x11e: {  	v9 =	vld [tilespmem:s16+$0xFFFFFF10]  }
0x11f: {  	v10 =	vld [tilespmem:s16+$0xFFFFFF20]  }
0x120: {  	v11 =	vld [tilespmem:s16+$0xFFFFFF30]  }
0x121: {  	s11 =	sadd.s32 $0x400, s11;
	v12 =	vld [tilespmem:s16+$0xFFFFFF40]  }
0x122: {  	v13 =	vld [tilespmem:s16+$0xFFFFFF50];
	[tilespmem:s11+$0x170] =	vst v6  }
0x123: {  	v6 =	vld [tilespmem:s16+$0xFFFFFF60]  }
0x124: {  	v14 =	vld [tilespmem:s16+$0xFFFFFF70]  }
0x125: {  	v15 =	vld [tilespmem:s16+$0x0]  }
0x126: {  	v16 =	vld [tilespmem:s16+$0x10]  }
0x127: {  	v17 =	vld [tilespmem:s16+$0x20]  }
0x128: {  	v18 =	vld [tilespmem:s16+$0x30]  }
0x129: {  	v19 =	vld [tilespmem:s16+$0x40]  }
0x12a: {  	v20 =	vld [tilespmem:s16+$0x50]  }
0x12b: {  	v21 =	vld [tilespmem:s16+$0x60]  }
0x12c: {  	v22 =	vld [tilespmem:s16+$0x70]  }
0x12d: {  	v23 =	vld [tilespmem:s16+$0x100]  }
0x12e: {  	v24 =	vld [tilespmem:s16+$0x110]  }
0x12f: {  	v25 =	vld [tilespmem:s16+$0x120]  }
0x130: {  	v26 =	vld [tilespmem:s16+$0x130]  }
0x131: {  	v27 =	vld [tilespmem:s16+$0x140]  }
0x132: {  	v28 =	vld [tilespmem:s16+$0x150]  }
0x133: {  	v29 =	vld [tilespmem:s16+$0x160]  }
0x134: {  	v30 =	vld [tilespmem:s16+$0xFFFFFE00]  }
0x135: {  	v4 =	vld.idx.msk [tilespmem:v4+s4+$0x0], $0xffff  }
0x136: {  	v0 =	vld.idx.msk [tilespmem:v0+s4+$0x0], $0xffff  }
0x137: {  	v1 =	vld.idx.msk [tilespmem:v1+s4+$0x0], $0xffff  }
0x138: {  	v2 =	vld.idx.msk [tilespmem:v2+s4+$0x0], $0xffff  }
0x139: {  	v3 =	vld.idx.msk [tilespmem:v3+s4+$0x0], $0xffff  }
0x13a: {  	v5 =	vld.idx.msk [tilespmem:v5+s4+$0x0], $0xffff  }
0x13b: {  	[tilespmem:s11+$0xFFFFFE10] =	vst v4;
	v4 =	vld.idx.msk [tilespmem:v7+s4+$0x0], $0xffff  }
0x13c: {  	v7 =	vld.idx.msk [tilespmem:v30+s4+$0x0], $0xffff;
	[tilespmem:s11+$0xFFFFFE20] =	vst v0  }
0x13d: {  	[tilespmem:s11+$0xFFFFFE30] =	vst v1;
	v0 =	vld.idx.msk [tilespmem:v8+s4+$0x0], $0xffff  }
0x13e: {  	[tilespmem:s11+$0xFFFFFE40] =	vst v2;
	v1 =	vld.idx.msk [tilespmem:v9+s4+$0x0], $0xffff  }
0x13f: {  	[tilespmem:s11+$0xFFFFFE50] =	vst v3;
	v2 =	vld.idx.msk [tilespmem:v10+s4+$0x0], $0xffff  }
0x140: {  	[tilespmem:s11+$0xFFFFFE60] =	vst v5;
	v3 =	vld.idx.msk [tilespmem:v11+s4+$0x0], $0xffff  }
0x141: {  	[tilespmem:s11+$0xFFFFFE70] =	vst v4;
	v4 =	vld.idx.msk [tilespmem:v12+s4+$0x0], $0xffff  }
0x142: {  	[tilespmem:s11+$0xFFFFFE00] =	vst v7;
	v5 =	vld.idx.msk [tilespmem:v13+s4+$0x0], $0xffff  }
0x143: {  	[tilespmem:s11+$0xFFFFFF00] =	vst v0;
	v0 =	vld.idx.msk [tilespmem:v6+s4+$0x0], $0xffff  }
0x144: {  	[tilespmem:s11+$0xFFFFFF10] =	vst v1;
	v1 =	vld.idx.msk [tilespmem:v14+s4+$0x0], $0xffff  }
0x145: {  	[tilespmem:s11+$0xFFFFFF20] =	vst v2;
	v2 =	vld.idx.msk [tilespmem:v15+s4+$0x0], $0xffff  }
0x146: {  	[tilespmem:s11+$0xFFFFFF30] =	vst v3;
	v3 =	vld.idx.msk [tilespmem:v16+s4+$0x0], $0xffff  }
0x147: {  	[tilespmem:s11+$0xFFFFFF40] =	vst v4;
	v4 =	vld.idx.msk [tilespmem:v17+s4+$0x0], $0xffff  }
0x148: {  	[tilespmem:s11+$0xFFFFFF50] =	vst v5;
	v5 =	vld.idx.msk [tilespmem:v18+s4+$0x0], $0xffff  }
0x149: {  	[tilespmem:s11+$0xFFFFFF60] =	vst v0;
	v0 =	vld.idx.msk [tilespmem:v19+s4+$0x0], $0xffff  }
0x14a: {  	[tilespmem:s11+$0xFFFFFF70] =	vst v1;
	v1 =	vld.idx.msk [tilespmem:v20+s4+$0x0], $0xffff  }
0x14b: {  	[tilespmem:s11+$0x0] =	vst v2;
	v2 =	vld.idx.msk [tilespmem:v21+s4+$0x0], $0xffff  }
0x14c: {  	[tilespmem:s11+$0x10] =	vst v3;
	v3 =	vld.idx.msk [tilespmem:v22+s4+$0x0], $0xffff  }
0x14d: {  	[tilespmem:s11+$0x20] =	vst v4;
	v6 =	vld.idx.msk [tilespmem:v23+s4+$0x0], $0xffff  }
0x14e: {  	[tilespmem:s11+$0x30] =	vst v5;
	v4 =	vld.idx.msk [tilespmem:v24+s4+$0x0], $0xffff  }
.Ltmp1:
0x14f: {  	[tilespmem:s11+$0x40] =	vst v0;
	v0 =	vld.idx.msk [tilespmem:v25+s4+$0x0], $0xffff;
	(pc) =	sbr.rel @p2 .LBB2_6-.Ltmp1, $4  }
0x150: {  	[tilespmem:s11+$0x50] =	vst v1;
	v1 =	vld.idx.msk [tilespmem:v26+s4+$0x0], $0xffff  }
0x151: {  	[tilespmem:s11+$0x60] =	vst v2;
	v2 =	vld.idx.msk [tilespmem:v27+s4+$0x0], $0xffff  }
0x152: {  	[tilespmem:s11+$0x70] =	vst v3;
	v3 =	vld.idx.msk [tilespmem:v28+s4+$0x0], $0xffff  }
0x153: {  	s16 =	sadd.s32 $0x400, s16;
	[tilespmem:s11+$0x100] =	vst v6;
	v5 =	vld.idx.msk [tilespmem:v29+s4+$0x0], $0xffff  }
0x154: {  	[tilespmem:s11+$0x110] =	vst v4;
	s8 =	sshll.u32 s8, $0x12  }
0x155: {  	[tilespmem:s11+$0x120] =	vst v0;
	s8 =	sor.u32 s8, s14  }
0x156: {  	[tilespmem:s11+$0x130] =	vst v1;
	s8 =	sor.u32 s5, s8  }
0x157: {  	[tilespmem:s11+$0x140] =	vst v2;
	s15 =	sshrl.u32 s8, $0x3  }
0x158: {  	[tilespmem:s11+$0x150] =	vst v3;
	s8 =	sadd.s32 $0x3, s10;
	s10 =	sadd.s32 s1, s15  }
0x159: {  	[tilespmem:s11+$0x160] =	vst v5;
	s11 =	simm.s32 $0x80;
	s15 =	sadd.s32 $0x100, s13;
	s16 =	sadd.s32 $0x0, s10  }
.LBB2_8:
0x15a: {  	[hbm4b:s16+s4] =	stream.linear.scatter [tilespmem:s13], [sflag:s8], $0x80, $0x38;
	[tilespmem:$0x1F900] =	vst v63  }
0x15b: {  	s16 =	smov.u32 s11;
	s13 =	smov.u32 s15;
	p2 =	seq.s32 s11, $0xF80  }
.Ltmp2:
0x15c: {  	s11 =	sadd.s32 $0x80, s11;
	(pc) =	sbr.rel @!p2 .LBB2_8-.Ltmp2, $2  }
0x15d: {  	_ =	sdelay $0x2  }
0x15e: {  	s15 =	sadd.s32 $0x100, s15;
	s16 =	sadd.s32 s16, s10  }
0x15f: {  	[hbm4b:s16+s4] =	stream.linear.scatter [tilespmem:s13], [sflag:s8], $0x80, $0x38;
	[tilespmem:$0x1F900] =	vst v63  }
0x160: {  	p2 =	seq.s32 s6, $0x32  }
.Ltmp3:
0x161: {  	_ = 	snop;
	(pc) =	sbr.rel @!p2 .LBB2_3-.Ltmp3, $2  }
0x162: {  	_ =	sdelay $0x2  }
0x163: {  	p1 =	por !p1, !p1;
	s8 =	smov.u32 s6  }
0x164: {  	s6 =	simm.s32 $0x0;
	s8 =	rddreg [dreg:$0xb];
	s10 =	simm.s32 $0x400  }
0x165: {  	[tilespmem:s6], [sflag:$0x5] =	stream.strided.gather [hbm4b:s8+s28], $0x18700, s10, s28, $0x38;
	[tilespmem:$0x1F900] =	vst v63  }
0x166: {  	_ =	swait.ge [sflag:s31], $0x1000  }
0x167: {  	[sflag:s31] =	ssyncset.done $0x0  }
0x168: {  	[sflag:s31] =	ssyncadd.s32 $0xFFFFF000  }
0x169: {  	_ =	swait.ge [sflag:s0], $0x1000  }
0x16a: {  	[sflag:s0] =	ssyncset.done $0x0  }
0x16b: {  	[sflag:s0] =	ssyncadd.s32 $0xFFFFF000  }
0x16c: {  	_ =	swait.ge [sflag:s30], $0x18700  }
0x16d: {  	[sflag:s30] =	ssyncset.done $0x0  }
0x16e: {  	s10 =	simm.s32 $0x18700;
	s11 =	rddreg [dreg:$0xd];
	[sflag:s30] =	ssyncadd.s32 $0xFFFE7900  }
0x16f: {  	[tilespmem:s10], [sflag:$0x1] =	stream.linear.gather [spmem:s2], $0x80, $0x38;
	[tilespmem:$0x1F900] =	vst v63  }
0x170: {  	s13 =	simm.s32 $0x18800;
	s15 =	rddreg [dreg:$0xe]  }
0x171: {  	[tilespmem:s13], [sflag:$0x1] =	stream.linear.gather [spmem:s11], $0x80, $0x38;
	[tilespmem:$0x1F900] =	vst v63  }
0x172: {  	s16 =	simm.s32 $0x18900;
	s11 =	rddreg [dreg:$0xf]  }
0x173: {  	[tilespmem:s16], [sflag:$0x1] =	stream.linear.gather [spmem:s15], $0x80, $0x38;
	[tilespmem:$0x1F900] =	vst v63  }
0x174: {  	s13 =	simm.s32 $0x18A00;
	s15 =	rddreg [dreg:$0x10]  }
0x175: {  	[tilespmem:s13], [sflag:$0x1] =	stream.linear.gather [spmem:s11], $0x80, $0x38;
	[tilespmem:$0x1F900] =	vst v63  }
0x176: {  	s16 =	simm.s32 $0x18B00;
	s11 =	rddreg [dreg:$0x11]  }
0x177: {  	[tilespmem:s16], [sflag:$0x1] =	stream.linear.gather [spmem:s15], $0x80, $0x38;
	[tilespmem:$0x1F900] =	vst v63  }
0x178: {  	s13 =	simm.s32 $0x18C00;
	s15 =	rddreg [dreg:$0x12]  }
0x179: {  	[tilespmem:s13], [sflag:$0x1] =	stream.linear.gather [spmem:s11], $0x80, $0x38;
	[tilespmem:$0x1F900] =	vst v63  }
0x17a: {  	s16 =	simm.s32 $0x18D00;
	s11 =	rddreg [dreg:$0x16]  }
0x17b: {  	[tilespmem:s16], [sflag:$0x1] =	stream.linear.gather [spmem:s15], $0x80, $0x38;
	[tilespmem:$0x1F900] =	vst v63  }
0x17c: {  	s13 =	simm.s32 $0x18E00;
	s15 =	rddreg [dreg:$0x17]  }
0x17d: {  	[tilespmem:s13], [sflag:$0x1] =	stream.linear.gather [spmem:s11], $0x80, $0x38;
	[tilespmem:$0x1F900] =	vst v63  }
0x17e: {  	s16 =	simm.s32 $0x18F00;
	s11 =	rddreg [dreg:$0x18]  }
0x17f: {  	[tilespmem:s16], [sflag:$0x1] =	stream.linear.gather [spmem:s15], $0x80, $0x38;
	[tilespmem:$0x1F900] =	vst v63  }
0x180: {  	s13 =	simm.s32 $0x19000;
	s15 =	rddreg [dreg:$0x19]  }
0x181: {  	[tilespmem:s13], [sflag:$0x1] =	stream.linear.gather [spmem:s11], $0x80, $0x38;
	[tilespmem:$0x1F900] =	vst v63  }
0x182: {  	s16 =	simm.s32 $0x19100;
	s11 =	rddreg [dreg:$0x1a]  }
0x183: {  	[tilespmem:s16], [sflag:$0x1] =	stream.linear.gather [spmem:s15], $0x80, $0x38;
	[tilespmem:$0x1F900] =	vst v63  }
0x184: {  	s13 =	simm.s32 $0x19200;
	s15 =	rddreg [dreg:$0x1b]  }
0x185: {  	[tilespmem:s13], [sflag:$0x1] =	stream.linear.gather [spmem:s11], $0x80, $0x38;
	[tilespmem:$0x1F900] =	vst v63  }
0x186: {  	s16 =	simm.s32 $0x19300;
	s11 =	rddreg [dreg:$0x1c]  }
0x187: {  	[tilespmem:s16], [sflag:$0x1] =	stream.linear.gather [spmem:s15], $0x80, $0x38;
	[tilespmem:$0x1F900] =	vst v63  }
0x188: {  	s13 =	simm.s32 $0x19400;
	s15 =	rddreg [dreg:$0x1d]  }
0x189: {  	[tilespmem:s13], [sflag:$0x1] =	stream.linear.gather [spmem:s11], $0x80, $0x38;
	[tilespmem:$0x1F900] =	vst v63  }
0x18a: {  	s16 =	simm.s32 $0x19500;
	s11 =	rddreg [dreg:$0x1e]  }
0x18b: {  	[tilespmem:s16], [sflag:$0x1] =	stream.linear.gather [spmem:s15], $0x80, $0x38;
	[tilespmem:$0x1F900] =	vst v63  }
0x18c: {  	s13 =	simm.s32 $0x19600;
	s15 =	rddreg [dreg:$0x1f]  }
0x18d: {  	[tilespmem:s13], [sflag:$0x1] =	stream.linear.gather [spmem:s11], $0x80, $0x38;
	[tilespmem:$0x1F900] =	vst v63  }
0x18e: {  	s16 =	simm.s32 $0x19700;
	s11 =	sld [smem:$0x7FA]  }
0x18f: {  	[tilespmem:s16], [sflag:$0x1] =	stream.linear.gather [spmem:s15], $0x80, $0x38;
	[tilespmem:$0x1F900] =	vst v63  }
0x190: {  	s13 =	simm.s32 $0x19800;
	s15 =	sld [smem:$0x7FB]  }
0x191: {  	[tilespmem:s13], [sflag:$0x1] =	stream.linear.gather [spmem:s11], $0x80, $0x38;
	[tilespmem:$0x1F900] =	vst v63  }
0x192: {  	s10 =	sld [smem:$0x7FC];
	s16 =	simm.s32 $0x19900  }
0x193: {  	[tilespmem:s16], [sflag:$0x1] =	stream.linear.gather [spmem:s15], $0x80, $0x38;
	[tilespmem:$0x1F900] =	vst v63  }
0x194: {  	s11 =	simm.s32 $0x19A00;
	s13 =	sld [smem:$0x7FD]  }
0x195: {  	[tilespmem:s11], [sflag:$0x1] =	stream.linear.gather [spmem:s10], $0x80, $0x38;
	[tilespmem:$0x1F900] =	vst v63  }
0x196: {  	s15 =	simm.s32 $0x19B00  }
0x197: {  	[tilespmem:s15], [sflag:$0x1] =	stream.linear.gather [spmem:s13], $0x80, $0x38;
	[tilespmem:$0x1F900] =	vst v63  }
0x198: {  	s16 =	simm.s32 $0x19C00  }
0x199: {  	[tilespmem:s16], [sflag:$0x1] =	stream.linear.gather [spmem:s7], $0x80, $0x38;
	[tilespmem:$0x1F900] =	vst v63  }
0x19a: {  	s10 =	simm.s32 $0x19D00  }
0x19b: {  	[tilespmem:s10], [sflag:$0x1] =	stream.linear.gather [spmem:s23], $0x80, $0x38;
	[tilespmem:$0x1F900] =	vst v63  }
0x19c: {  	s11 =	simm.s32 $0x19E00  }
0x19d: {  	[tilespmem:s11], [sflag:$0x1] =	stream.linear.gather [spmem:s24], $0x80, $0x38;
	[tilespmem:$0x1F900] =	vst v63  }
0x19e: {  	s13 =	simm.s32 $0x19F00  }
0x19f: {  	[tilespmem:s13], [sflag:$0x1] =	stream.linear.gather [spmem:s25], $0x80, $0x38;
	[tilespmem:$0x1F900] =	vst v63  }
0x1a0: {  	s15 =	simm.s32 $0x1A000  }
0x1a1: {  	[tilespmem:s15], [sflag:$0x1] =	stream.linear.gather [spmem:s17], $0x80, $0x38;
	[tilespmem:$0x1F900] =	vst v63  }
0x1a2: {  	s16 =	simm.s32 $0x1A100  }
0x1a3: {  	[tilespmem:s16], [sflag:$0x1] =	stream.linear.gather [spmem:s18], $0x80, $0x38;
	[tilespmem:$0x1F900] =	vst v63  }
0x1a4: {  	s10 =	simm.s32 $0x1A200  }
0x1a5: {  	[tilespmem:s10], [sflag:$0x1] =	stream.linear.gather [spmem:s19], $0x80, $0x38;
	[tilespmem:$0x1F900] =	vst v63  }
0x1a6: {  	s11 =	simm.s32 $0x1A300  }
0x1a7: {  	[tilespmem:s11], [sflag:$0x1] =	stream.linear.gather [spmem:s20], $0x80, $0x38;
	[tilespmem:$0x1F900] =	vst v63  }
0x1a8: {  	s13 =	simm.s32 $0x1A400  }
0x1a9: {  	[tilespmem:s13], [sflag:$0x1] =	stream.linear.gather [spmem:s21], $0x80, $0x38;
	[tilespmem:$0x1F900] =	vst v63  }
0x1aa: {  	s15 =	simm.s32 $0x1A500  }
0x1ab: {  	[tilespmem:s15], [sflag:$0x1] =	stream.linear.gather [spmem:s22], $0x80, $0x38;
	[tilespmem:$0x1F900] =	vst v63  }
0x1ac: {  	p1 =	por $0x0, $0x0;
	s16 =	simm.s32 $0x1A600  }
0x1ad: {  	[tilespmem:s16], [sflag:$0x1] =	stream.linear.gather [spmem:s26], $0x80, $0x38;
	[tilespmem:$0x1F900] =	vst v63  }
.LBB2_12:
0x1ae: {  	p2 =	seq.s32 s6, $0x31  }
.Ltmp4:
0x1af: {  	_ = 	snop;
	(pc) =	sbr.rel @p2 .LBB2_14-.Ltmp4, $2  }
0x1b0: {  	_ =	sdelay $0x2  }
0x1b1: {  	s8 =	sadd.s32 $0x1, s6  }
0x1b2: {  	s10 =	sshll.u32 s8, $0x7;
	s11 =	sshll.u32 s8, $0xC  }
0x1b3: {  	s13 =	sand.u32 $0x1, s8;
	s10 =	sand.u32 $0x80, s10;
	s15 =	sand.u32 $0x3FFFF000, s11  }
0x1b4: {  	s11 =	sadd.s32 $0x1, s13;
	s16 =	sor.u32 $0x18700, s10;
	s13 =	sadd.s32 s15, s2  }
0x1b5: {  	[tilespmem:s16], [sflag:s11] =	stream.linear.gather [spmem:s13], $0x80, $0x38;
	[tilespmem:$0x1F900] =	vst v63  }
0x1b6: {  	s15 =	sadd.s32 $0x80, s13;
	s16 =	sor.u32 $0x18800, s10  }
0x1b7: {  	[tilespmem:s16], [sflag:s11] =	stream.linear.gather [spmem:s15], $0x80, $0x38;
	[tilespmem:$0x1F900] =	vst v63  }
0x1b8: {  	s15 =	sadd.s32 $0x100, s13;
	s16 =	sor.u32 $0x18900, s10  }
0x1b9: {  	[tilespmem:s16], [sflag:s11] =	stream.linear.gather [spmem:s15], $0x80, $0x38;
	[tilespmem:$0x1F900] =	vst v63  }
0x1ba: {  	s15 =	sadd.s32 $0x180, s13;
	s16 =	sor.u32 $0x18A00, s10  }
0x1bb: {  	[tilespmem:s16], [sflag:s11] =	stream.linear.gather [spmem:s15], $0x80, $0x38;
	[tilespmem:$0x1F900] =	vst v63  }
0x1bc: {  	s15 =	sadd.s32 $0x200, s13;
	s16 =	sor.u32 $0x18B00, s10  }
0x1bd: {  	[tilespmem:s16], [sflag:s11] =	stream.linear.gather [spmem:s15], $0x80, $0x38;
	[tilespmem:$0x1F900] =	vst v63  }
0x1be: {  	s15 =	sadd.s32 $0x280, s13;
	s16 =	sor.u32 $0x18C00, s10  }
0x1bf: {  	[tilespmem:s16], [sflag:s11] =	stream.linear.gather [spmem:s15], $0x80, $0x38;
	[tilespmem:$0x1F900] =	vst v63  }
0x1c0: {  	s15 =	sadd.s32 $0x300, s13;
	s16 =	sor.u32 $0x18D00, s10  }
0x1c1: {  	[tilespmem:s16], [sflag:s11] =	stream.linear.gather [spmem:s15], $0x80, $0x38;
	[tilespmem:$0x1F900] =	vst v63  }
0x1c2: {  	s15 =	sadd.s32 $0x380, s13;
	s16 =	sor.u32 $0x18E00, s10  }
0x1c3: {  	[tilespmem:s16], [sflag:s11] =	stream.linear.gather [spmem:s15], $0x80, $0x38;
	[tilespmem:$0x1F900] =	vst v63  }
0x1c4: {  	s15 =	sadd.s32 $0x400, s13;
	s16 =	sor.u32 $0x18F00, s10  }
0x1c5: {  	[tilespmem:s16], [sflag:s11] =	stream.linear.gather [spmem:s15], $0x80, $0x38;
	[tilespmem:$0x1F900] =	vst v63  }
0x1c6: {  	s15 =	sadd.s32 $0x480, s13;
	s16 =	sor.u32 $0x19000, s10  }
0x1c7: {  	[tilespmem:s16], [sflag:s11] =	stream.linear.gather [spmem:s15], $0x80, $0x38;
	[tilespmem:$0x1F900] =	vst v63  }
0x1c8: {  	s15 =	sadd.s32 $0x500, s13;
	s16 =	sor.u32 $0x19100, s10  }
0x1c9: {  	[tilespmem:s16], [sflag:s11] =	stream.linear.gather [spmem:s15], $0x80, $0x38;
	[tilespmem:$0x1F900] =	vst v63  }
0x1ca: {  	s15 =	sadd.s32 $0x580, s13;
	s16 =	sor.u32 $0x19200, s10  }
0x1cb: {  	[tilespmem:s16], [sflag:s11] =	stream.linear.gather [spmem:s15], $0x80, $0x38;
	[tilespmem:$0x1F900] =	vst v63  }
0x1cc: {  	s15 =	sadd.s32 $0x600, s13;
	s16 =	sor.u32 $0x19300, s10  }
0x1cd: {  	[tilespmem:s16], [sflag:s11] =	stream.linear.gather [spmem:s15], $0x80, $0x38;
	[tilespmem:$0x1F900] =	vst v63  }
0x1ce: {  	s15 =	sadd.s32 $0x680, s13;
	s16 =	sor.u32 $0x19400, s10  }
0x1cf: {  	[tilespmem:s16], [sflag:s11] =	stream.linear.gather [spmem:s15], $0x80, $0x38;
	[tilespmem:$0x1F900] =	vst v63  }
0x1d0: {  	s15 =	sadd.s32 $0x700, s13;
	s16 =	sor.u32 $0x19500, s10  }
0x1d1: {  	[tilespmem:s16], [sflag:s11] =	stream.linear.gather [spmem:s15], $0x80, $0x38;
	[tilespmem:$0x1F900] =	vst v63  }
0x1d2: {  	s15 =	sadd.s32 $0x780, s13;
	s16 =	sor.u32 $0x19600, s10  }
0x1d3: {  	[tilespmem:s16], [sflag:s11] =	stream.linear.gather [spmem:s15], $0x80, $0x38;
	[tilespmem:$0x1F900] =	vst v63  }
0x1d4: {  	s15 =	sadd.s32 $0x800, s13;
	s16 =	sor.u32 $0x19700, s10  }
0x1d5: {  	[tilespmem:s16], [sflag:s11] =	stream.linear.gather [spmem:s15], $0x80, $0x38;
	[tilespmem:$0x1F900] =	vst v63  }
0x1d6: {  	s15 =	sadd.s32 $0x880, s13;
	s16 =	sor.u32 $0x19800, s10  }
0x1d7: {  	[tilespmem:s16], [sflag:s11] =	stream.linear.gather [spmem:s15], $0x80, $0x38;
	[tilespmem:$0x1F900] =	vst v63  }
0x1d8: {  	s15 =	sadd.s32 $0x900, s13;
	s16 =	sor.u32 $0x19900, s10  }
0x1d9: {  	[tilespmem:s16], [sflag:s11] =	stream.linear.gather [spmem:s15], $0x80, $0x38;
	[tilespmem:$0x1F900] =	vst v63  }
0x1da: {  	s15 =	sadd.s32 $0x980, s13;
	s16 =	sor.u32 $0x19A00, s10  }
0x1db: {  	[tilespmem:s16], [sflag:s11] =	stream.linear.gather [spmem:s15], $0x80, $0x38;
	[tilespmem:$0x1F900] =	vst v63  }
0x1dc: {  	s15 =	sadd.s32 $0xA00, s13;
	s16 =	sor.u32 $0x19B00, s10  }
0x1dd: {  	[tilespmem:s16], [sflag:s11] =	stream.linear.gather [spmem:s15], $0x80, $0x38;
	[tilespmem:$0x1F900] =	vst v63  }
0x1de: {  	s15 =	sadd.s32 $0xA80, s13;
	s16 =	sor.u32 $0x19C00, s10  }
0x1df: {  	[tilespmem:s16], [sflag:s11] =	stream.linear.gather [spmem:s15], $0x80, $0x38;
	[tilespmem:$0x1F900] =	vst v63  }
0x1e0: {  	s15 =	sadd.s32 $0xB00, s13;
	s16 =	sor.u32 $0x19D00, s10  }
0x1e1: {  	[tilespmem:s16], [sflag:s11] =	stream.linear.gather [spmem:s15], $0x80, $0x38;
	[tilespmem:$0x1F900] =	vst v63  }
0x1e2: {  	s15 =	sadd.s32 $0xB80, s13;
	s16 =	sor.u32 $0x19E00, s10  }
0x1e3: {  	[tilespmem:s16], [sflag:s11] =	stream.linear.gather [spmem:s15], $0x80, $0x38;
	[tilespmem:$0x1F900] =	vst v63  }
0x1e4: {  	s15 =	sadd.s32 $0xC00, s13;
	s16 =	sor.u32 $0x19F00, s10  }
0x1e5: {  	[tilespmem:s16], [sflag:s11] =	stream.linear.gather [spmem:s15], $0x80, $0x38;
	[tilespmem:$0x1F900] =	vst v63  }
0x1e6: {  	s15 =	sadd.s32 $0xC80, s13;
	s16 =	sor.u32 $0x1A000, s10  }
0x1e7: {  	[tilespmem:s16], [sflag:s11] =	stream.linear.gather [spmem:s15], $0x80, $0x38;
	[tilespmem:$0x1F900] =	vst v63  }
0x1e8: {  	s15 =	sadd.s32 $0xD00, s13;
	s16 =	sor.u32 $0x1A100, s10  }
0x1e9: {  	[tilespmem:s16], [sflag:s11] =	stream.linear.gather [spmem:s15], $0x80, $0x38;
	[tilespmem:$0x1F900] =	vst v63  }
0x1ea: {  	s15 =	sadd.s32 $0xD80, s13;
	s16 =	sor.u32 $0x1A200, s10  }
0x1eb: {  	[tilespmem:s16], [sflag:s11] =	stream.linear.gather [spmem:s15], $0x80, $0x38;
	[tilespmem:$0x1F900] =	vst v63  }
0x1ec: {  	s15 =	sadd.s32 $0xE00, s13;
	s16 =	sor.u32 $0x1A300, s10  }
0x1ed: {  	[tilespmem:s16], [sflag:s11] =	stream.linear.gather [spmem:s15], $0x80, $0x38;
	[tilespmem:$0x1F900] =	vst v63  }
0x1ee: {  	s15 =	sadd.s32 $0xE80, s13;
	s16 =	sor.u32 $0x1A400, s10  }
0x1ef: {  	[tilespmem:s16], [sflag:s11] =	stream.linear.gather [spmem:s15], $0x80, $0x38;
	[tilespmem:$0x1F900] =	vst v63  }
0x1f0: {  	s15 =	sadd.s32 $0xF00, s13;
	s16 =	sor.u32 $0x1A500, s10  }
0x1f1: {  	[tilespmem:s16], [sflag:s11] =	stream.linear.gather [spmem:s15], $0x80, $0x38;
	[tilespmem:$0x1F900] =	vst v63  }
0x1f2: {  	s13 =	sadd.s32 $0xF80, s13;
	s10 =	sor.u32 $0x1A600, s10  }
0x1f3: {  	[tilespmem:s10], [sflag:s11] =	stream.linear.gather [spmem:s13], $0x80, $0x38;
	[tilespmem:$0x1F900] =	vst v63  }
.LBB2_14:
0x1f4: {  	s10 =	sand.u32 $0x1, s6  }
0x1f5: {  	s11 =	sadd.s32 $0x1, s10  }
0x1f6: {  	_ =	swait.ge [sflag:s11], $0x1000  }
0x1f7: {  	p2 =	slt.u32 s6, $0x2;
	[sflag:s11] =	ssyncset.done $0x0  }
0x1f8: {  	s13 =	simm.s32 $0x1;
	[sflag:s11] =	ssyncadd.s32 $0xFFFFF000;
	s11 =	sadd.s32 @!p2 $0x3, s10  }
0x1f9: {  	s13 =	simm.s32 @!p1 $0x0;
	_ =	swait.ge @!p2 [sflag:s11], $0x1000  }
0x1fa: {  	s13 =	sshll.u32 s13, $0x7;
	[sflag:s11] =	ssyncset.done @!p2 $0x0  }
0x1fb: {  	s16 =	sor.u32 $0x18900, s13;
	[sflag:s11] =	ssyncadd.s32 @!p2 $0xFFFFF000  }
0x1fc: {  	v0 =	vld [tilespmem:s16+$0x170]  }
0x1fd: {  	v1 =	vld [tilespmem:s16+$0xFFFFFE10]  }
0x1fe: {  	v2 =	vld [tilespmem:s16+$0xFFFFFE20]  }
0x1ff: {  	v3 =	vld [tilespmem:s16+$0xFFFFFE30]  }
0x200: {  	v4 =	vld [tilespmem:s16+$0xFFFFFE40]  }
0x201: {  	v5 =	vld [tilespmem:s16+$0xFFFFFE50]  }
0x202: {  	v6 =	vld [tilespmem:s16+$0xFFFFFE60]  }
0x203: {  	v7 =	vld [tilespmem:s16+$0xFFFFFE70]  }
0x204: {  	v8 =	vld [tilespmem:s16+$0xFFFFFF00]  }
0x205: {  	v9 =	vld [tilespmem:s16+$0xFFFFFF10]  }
0x206: {  	v10 =	vld [tilespmem:s16+$0xFFFFFF20]  }
0x207: {  	v11 =	vld [tilespmem:s16+$0xFFFFFF30]  }
0x208: {  	v12 =	vld [tilespmem:s16+$0xFFFFFF40]  }
0x209: {  	v13 =	vld [tilespmem:s16+$0xFFFFFF50]  }
0x20a: {  	v14 =	vld [tilespmem:s16+$0xFFFFFF60]  }
0x20b: {  	v15 =	vld [tilespmem:s16+$0xFFFFFF70]  }
0x20c: {  	v16 =	vld [tilespmem:s16+$0x0]  }
0x20d: {  	v17 =	vld [tilespmem:s16+$0x10]  }
0x20e: {  	v18 =	vld [tilespmem:s16+$0x20]  }
0x20f: {  	v19 =	vld [tilespmem:s16+$0x30]  }
0x210: {  	v20 =	vld [tilespmem:s16+$0x40]  }
0x211: {  	v21 =	vld [tilespmem:s16+$0x50]  }
0x212: {  	v22 =	vld [tilespmem:s16+$0x60]  }
0x213: {  	v23 =	vld [tilespmem:s16+$0x70]  }
0x214: {  	v24 =	vld [tilespmem:s16+$0x100]  }
0x215: {  	v25 =	vld [tilespmem:s16+$0x110]  }
0x216: {  	v26 =	vld [tilespmem:s16+$0x120]  }
0x217: {  	v27 =	vld [tilespmem:s16+$0x130]  }
0x218: {  	v28 =	vld [tilespmem:s16+$0x140]  }
0x219: {  	v29 =	vld [tilespmem:s16+$0x150]  }
0x21a: {  	v30 =	vld [tilespmem:s16+$0x160]  }
0x21b: {  	v31 =	vld [tilespmem:s16+$0xFFFFFE00]  }
0x21c: {  	v0 =	vld.idx.msk [tilespmem:v0+s4+$0x0], $0xffff  }
0x21d: {  	v1 =	vld.idx.msk [tilespmem:v1+s4+$0x0], $0xffff  }
0x21e: {  	v2 =	vld.idx.msk [tilespmem:v2+s4+$0x0], $0xffff  }
0x21f: {  	v3 =	vld.idx.msk [tilespmem:v3+s4+$0x0], $0xffff  }
0x220: {  	v4 =	vld.idx.msk [tilespmem:v4+s4+$0x0], $0xffff  }
0x221: {  	s11 =	sor.u32 $0x1A900, s13;
	v5 =	vld.idx.msk [tilespmem:v5+s4+$0x0], $0xffff  }
0x222: {  	v63 =	vld.idx.msk [tilespmem:v24+s4+$0x0], $0xffff;
	[tilespmem:s11+$0x170] =	vst v0  }
0x223: {  	v0 =	vld.idx.msk [tilespmem:v6+s4+$0x0], $0xffff;
	[tilespmem:s11+$0xFFFFFE10] =	vst v1  }
0x224: {  	v1 =	vld.idx.msk [tilespmem:v7+s4+$0x0], $0xffff;
	[tilespmem:s11+$0xFFFFFE20] =	vst v2  }
0x225: {  	v6 =	vld.idx.msk [tilespmem:v31+s4+$0x0], $0xffff;
	[tilespmem:s11+$0xFFFFFE30] =	vst v3  }
0x226: {  	v2 =	vld.idx.msk [tilespmem:v8+s4+$0x0], $0xffff;
	[tilespmem:s11+$0xFFFFFE40] =	vst v4  }
0x227: {  	v3 =	vld.idx.msk [tilespmem:v9+s4+$0x0], $0xffff;
	[tilespmem:s11+$0xFFFFFE50] =	vst v5  }
0x228: {  	v4 =	vld.idx.msk [tilespmem:v10+s4+$0x0], $0xffff;
	[tilespmem:s11+$0x100] =	vst v63  }
0x229: {  	v5 =	vld.idx.msk [tilespmem:v13+s4+$0x0], $0xffff;
	[tilespmem:s11+$0xFFFFFE60] =	vst v0  }
0x22a: {  	v7 =	vld.idx.msk [tilespmem:v23+s4+$0x0], $0xffff;
	[tilespmem:s11+$0xFFFFFE70] =	vst v1  }
0x22b: {  	v0 =	vld.idx.msk [tilespmem:v11+s4+$0x0], $0xffff;
	[tilespmem:s11+$0xFFFFFE00] =	vst v6  }
0x22c: {  	v1 =	vld.idx.msk [tilespmem:v12+s4+$0x0], $0xffff;
	[tilespmem:s11+$0xFFFFFF00] =	vst v2  }
0x22d: {  	v2 =	vld.idx.msk [tilespmem:v14+s4+$0x0], $0xffff;
	[tilespmem:s11+$0xFFFFFF10] =	vst v3  }
0x22e: {  	v3 =	vld.idx.msk [tilespmem:v15+s4+$0x0], $0xffff;
	[tilespmem:s11+$0xFFFFFF20] =	vst v4  }
0x22f: {  	v4 =	vld.idx.msk [tilespmem:v16+s4+$0x0], $0xffff;
	[tilespmem:s11+$0xFFFFFF50] =	vst v5  }
0x230: {  	v5 =	vld.idx.msk [tilespmem:v19+s4+$0x0], $0xffff;
	[tilespmem:s11+$0x70] =	vst v7  }
0x231: {  	v6 =	vld.idx.msk [tilespmem:v22+s4+$0x0], $0xffff;
	[tilespmem:s11+$0xFFFFFF30] =	vst v0  }
0x232: {  	v0 =	vld.idx.msk [tilespmem:v17+s4+$0x0], $0xffff;
	[tilespmem:s11+$0xFFFFFF40] =	vst v1  }
0x233: {  	v1 =	vld.idx.msk [tilespmem:v18+s4+$0x0], $0xffff;
	[tilespmem:s11+$0xFFFFFF60] =	vst v2  }
0x234: {  	v2 =	vld.idx.msk [tilespmem:v20+s4+$0x0], $0xffff;
	[tilespmem:s11+$0xFFFFFF70] =	vst v3  }
0x235: {  	v3 =	vld.idx.msk [tilespmem:v21+s4+$0x0], $0xffff;
	[tilespmem:s11+$0x0] =	vst v4  }
0x236: {  	[tilespmem:s11+$0x30] =	vst v5;
	v4 =	vld.idx.msk [tilespmem:v25+s4+$0x0], $0xffff  }
0x237: {  	[tilespmem:s11+$0x60] =	vst v6;
	v5 =	vld.idx.msk [tilespmem:v30+s4+$0x0], $0xffff  }
0x238: {  	[tilespmem:s11+$0x10] =	vst v0;
	v0 =	vld.idx.msk [tilespmem:v26+s4+$0x0], $0xffff  }
0x239: {  	[tilespmem:s11+$0x20] =	vst v1;
	v1 =	vld.idx.msk [tilespmem:v27+s4+$0x0], $0xffff  }
0x23a: {  	[tilespmem:s11+$0x40] =	vst v2;
	v2 =	vld.idx.msk [tilespmem:v28+s4+$0x0], $0xffff  }
0x23b: {  	s15 =	simm.s32 $0x0;
	s13 =	sor.u32 $0x1A700, s13;
	s16 =	sadd.s32 $0x400, s16;
	[tilespmem:s11+$0x50] =	vst v3;
	v3 =	vld.idx.msk [tilespmem:v29+s4+$0x0], $0xffff  }
.LBB2_15:
0x23c: {  	v6 =	vld [tilespmem:s16+$0x170];
	s15 =	sadd.s32 $0x200, s15;
	[tilespmem:s11+$0x110] =	vst v4  }
0x23d: {  	v4 =	vld [tilespmem:s16+$0xFFFFFE10];
	p2 =	slt.u32 s15, $0xE00;
	[tilespmem:s11+$0x120] =	vst v0  }
0x23e: {  	v0 =	vld [tilespmem:s16+$0xFFFFFE20];
	[tilespmem:s11+$0x130] =	vst v1  }
0x23f: {  	v1 =	vld [tilespmem:s16+$0xFFFFFE30];
	[tilespmem:s11+$0x140] =	vst v2  }
0x240: {  	v2 =	vld [tilespmem:s16+$0xFFFFFE40];
	[tilespmem:s11+$0x150] =	vst v3  }
0x241: {  	v3 =	vld [tilespmem:s16+$0xFFFFFE50];
	[tilespmem:s11+$0x160] =	vst v5  }
0x242: {  	v5 =	vld [tilespmem:s16+$0xFFFFFE60]  }
0x243: {  	v7 =	vld [tilespmem:s16+$0xFFFFFE70]  }
0x244: {  	v6 =	vld.idx.msk [tilespmem:v6+s4+$0x0], $0xffff  }
0x245: {  	v8 =	vld [tilespmem:s16+$0xFFFFFF00]  }
0x246: {  	v9 =	vld [tilespmem:s16+$0xFFFFFF10]  }
0x247: {  	v10 =	vld [tilespmem:s16+$0xFFFFFF20]  }
0x248: {  	v11 =	vld [tilespmem:s16+$0xFFFFFF30]  }
0x249: {  	s11 =	sadd.s32 $0x400, s11;
	v12 =	vld [tilespmem:s16+$0xFFFFFF40]  }
0x24a: {  	v13 =	vld [tilespmem:s16+$0xFFFFFF50];
	[tilespmem:s11+$0x170] =	vst v6  }
0x24b: {  	v6 =	vld [tilespmem:s16+$0xFFFFFF60]  }
0x24c: {  	v14 =	vld [tilespmem:s16+$0xFFFFFF70]  }
0x24d: {  	v15 =	vld [tilespmem:s16+$0x0]  }
0x24e: {  	v16 =	vld [tilespmem:s16+$0x10]  }
0x24f: {  	v17 =	vld [tilespmem:s16+$0x20]  }
0x250: {  	v18 =	vld [tilespmem:s16+$0x30]  }
0x251: {  	v19 =	vld [tilespmem:s16+$0x40]  }
0x252: {  	v20 =	vld [tilespmem:s16+$0x50]  }
0x253: {  	v21 =	vld [tilespmem:s16+$0x60]  }
0x254: {  	v22 =	vld [tilespmem:s16+$0x70]  }
0x255: {  	v23 =	vld [tilespmem:s16+$0x100]  }
0x256: {  	v24 =	vld [tilespmem:s16+$0x110]  }
0x257: {  	v25 =	vld [tilespmem:s16+$0x120]  }
0x258: {  	v26 =	vld [tilespmem:s16+$0x130]  }
0x259: {  	v27 =	vld [tilespmem:s16+$0x140]  }
0x25a: {  	v28 =	vld [tilespmem:s16+$0x150]  }
0x25b: {  	v29 =	vld [tilespmem:s16+$0x160]  }
0x25c: {  	v30 =	vld [tilespmem:s16+$0xFFFFFE00]  }
0x25d: {  	v4 =	vld.idx.msk [tilespmem:v4+s4+$0x0], $0xffff  }
0x25e: {  	v0 =	vld.idx.msk [tilespmem:v0+s4+$0x0], $0xffff  }
0x25f: {  	v1 =	vld.idx.msk [tilespmem:v1+s4+$0x0], $0xffff  }
0x260: {  	v2 =	vld.idx.msk [tilespmem:v2+s4+$0x0], $0xffff  }
0x261: {  	v3 =	vld.idx.msk [tilespmem:v3+s4+$0x0], $0xffff  }
0x262: {  	v5 =	vld.idx.msk [tilespmem:v5+s4+$0x0], $0xffff  }
0x263: {  	[tilespmem:s11+$0xFFFFFE10] =	vst v4;
	v4 =	vld.idx.msk [tilespmem:v7+s4+$0x0], $0xffff  }
0x264: {  	v7 =	vld.idx.msk [tilespmem:v30+s4+$0x0], $0xffff;
	[tilespmem:s11+$0xFFFFFE20] =	vst v0  }
0x265: {  	[tilespmem:s11+$0xFFFFFE30] =	vst v1;
	v0 =	vld.idx.msk [tilespmem:v8+s4+$0x0], $0xffff  }
0x266: {  	[tilespmem:s11+$0xFFFFFE40] =	vst v2;
	v1 =	vld.idx.msk [tilespmem:v9+s4+$0x0], $0xffff  }
0x267: {  	[tilespmem:s11+$0xFFFFFE50] =	vst v3;
	v2 =	vld.idx.msk [tilespmem:v10+s4+$0x0], $0xffff  }
0x268: {  	[tilespmem:s11+$0xFFFFFE60] =	vst v5;
	v3 =	vld.idx.msk [tilespmem:v11+s4+$0x0], $0xffff  }
0x269: {  	[tilespmem:s11+$0xFFFFFE70] =	vst v4;
	v4 =	vld.idx.msk [tilespmem:v12+s4+$0x0], $0xffff  }
0x26a: {  	[tilespmem:s11+$0xFFFFFE00] =	vst v7;
	v5 =	vld.idx.msk [tilespmem:v13+s4+$0x0], $0xffff  }
0x26b: {  	[tilespmem:s11+$0xFFFFFF00] =	vst v0;
	v0 =	vld.idx.msk [tilespmem:v6+s4+$0x0], $0xffff  }
0x26c: {  	[tilespmem:s11+$0xFFFFFF10] =	vst v1;
	v1 =	vld.idx.msk [tilespmem:v14+s4+$0x0], $0xffff  }
0x26d: {  	[tilespmem:s11+$0xFFFFFF20] =	vst v2;
	v2 =	vld.idx.msk [tilespmem:v15+s4+$0x0], $0xffff  }
0x26e: {  	[tilespmem:s11+$0xFFFFFF30] =	vst v3;
	v3 =	vld.idx.msk [tilespmem:v16+s4+$0x0], $0xffff  }
0x26f: {  	[tilespmem:s11+$0xFFFFFF40] =	vst v4;
	v4 =	vld.idx.msk [tilespmem:v17+s4+$0x0], $0xffff  }
0x270: {  	[tilespmem:s11+$0xFFFFFF50] =	vst v5;
	v5 =	vld.idx.msk [tilespmem:v18+s4+$0x0], $0xffff  }
0x271: {  	[tilespmem:s11+$0xFFFFFF60] =	vst v0;
	v0 =	vld.idx.msk [tilespmem:v19+s4+$0x0], $0xffff  }
0x272: {  	[tilespmem:s11+$0xFFFFFF70] =	vst v1;
	v1 =	vld.idx.msk [tilespmem:v20+s4+$0x0], $0xffff  }
0x273: {  	[tilespmem:s11+$0x0] =	vst v2;
	v2 =	vld.idx.msk [tilespmem:v21+s4+$0x0], $0xffff  }
0x274: {  	[tilespmem:s11+$0x10] =	vst v3;
	v3 =	vld.idx.msk [tilespmem:v22+s4+$0x0], $0xffff  }
0x275: {  	[tilespmem:s11+$0x20] =	vst v4;
	v6 =	vld.idx.msk [tilespmem:v23+s4+$0x0], $0xffff  }
0x276: {  	[tilespmem:s11+$0x30] =	vst v5;
	v4 =	vld.idx.msk [tilespmem:v24+s4+$0x0], $0xffff  }
.Ltmp5:
0x277: {  	[tilespmem:s11+$0x40] =	vst v0;
	v0 =	vld.idx.msk [tilespmem:v25+s4+$0x0], $0xffff;
	(pc) =	sbr.rel @p2 .LBB2_15-.Ltmp5, $4  }
0x278: {  	[tilespmem:s11+$0x50] =	vst v1;
	v1 =	vld.idx.msk [tilespmem:v26+s4+$0x0], $0xffff  }
0x279: {  	[tilespmem:s11+$0x60] =	vst v2;
	v2 =	vld.idx.msk [tilespmem:v27+s4+$0x0], $0xffff  }
0x27a: {  	[tilespmem:s11+$0x70] =	vst v3;
	v3 =	vld.idx.msk [tilespmem:v28+s4+$0x0], $0xffff  }
0x27b: {  	s16 =	sadd.s32 $0x400, s16;
	[tilespmem:s11+$0x100] =	vst v6;
	v5 =	vld.idx.msk [tilespmem:v29+s4+$0x0], $0xffff  }
0x27c: {  	[tilespmem:s11+$0x110] =	vst v4;
	s6 =	sshll.u32 s6, $0x12  }
0x27d: {  	[tilespmem:s11+$0x120] =	vst v0;
	s6 =	sor.u32 s6, s14  }
0x27e: {  	[tilespmem:s11+$0x130] =	vst v1;
	s6 =	sor.u32 s12, s6  }
0x27f: {  	[tilespmem:s11+$0x140] =	vst v2;
	s15 =	sshrl.u32 s6, $0x3  }
0x280: {  	[tilespmem:s11+$0x150] =	vst v3;
	s6 =	sadd.s32 $0x3, s10;
	s10 =	sadd.s32 s1, s15  }
0x281: {  	[tilespmem:s11+$0x160] =	vst v5;
	s11 =	simm.s32 $0x80;
	s15 =	sadd.s32 $0x100, s13;
	s16 =	sadd.s32 $0x0, s10  }
.LBB2_17:
0x282: {  	[hbm4b:s16+s4] =	stream.linear.scatter [tilespmem:s13], [sflag:s6], $0x80, $0x38;
	[tilespmem:$0x1F900] =	vst v63  }
0x283: {  	s16 =	smov.u32 s11;
	s13 =	smov.u32 s15;
	p2 =	seq.s32 s11, $0xF80  }
.Ltmp6:
0x284: {  	s11 =	sadd.s32 $0x80, s11;
	(pc) =	sbr.rel @!p2 .LBB2_17-.Ltmp6, $2  }
0x285: {  	_ =	sdelay $0x2  }
0x286: {  	s15 =	sadd.s32 $0x100, s15;
	s16 =	sadd.s32 s16, s10  }
0x287: {  	[hbm4b:s16+s4] =	stream.linear.scatter [tilespmem:s13], [sflag:s6], $0x80, $0x38;
	[tilespmem:$0x1F900] =	vst v63  }
0x288: {  	p2 =	seq.s32 s8, $0x32  }
.Ltmp7:
0x289: {  	_ = 	snop;
	(pc) =	sbr.rel @!p2 .LBB2_12-.Ltmp7, $2  }
0x28a: {  	_ =	sdelay $0x2  }
0x28b: {  	p1 =	por !p1, !p1;
	s6 =	smov.u32 s8  }
0x28c: {  	_ =	swait.ge [sflag:s31], $0x1000  }
0x28d: {  	[sflag:s31] =	ssyncset.done $0x0  }
0x28e: {  	[sflag:s31] =	ssyncadd.s32 $0xFFFFF000  }
0x28f: {  	_ =	swait.ge [sflag:s0], $0x1000  }
0x290: {  	s3 =	sadd.s32 $0x1, s3;
	s6 =	rddreg [dreg:$0xc]  }
0x291: {  	p1 =	sne.s32 s3, s6  }
.Ltmp8:
0x292: {  	_ = 	snop;
	(pc) =	sbr.rel @p1 .LBB2_1-.Ltmp8, $3  }
0x293: {  	_ =	sdelay $0x1  }
0x294: {  	[sflag:s0] =	ssyncset.done $0x0  }
0x295: {  	[sflag:s0] =	ssyncadd.s32 $0xFFFFF000  }
0x296: {  	_ =	sfence.sel $0x180000  }
0x297: {  	[bflag:$0x0] =	sbarrier.arrive $0xFFFF  }
0x298: {  	_ =	strace $0x90000047  }
0x299: {  	s0 =	stileid.u32;
	[bflag:$0x2] =	sbarrier.arrive $0xFFFF  }
0x29a: {  	p0 =	sne.s32 s0, $0x0;
	s0 =	rddreg [dreg:$0x4]  }
0x29b: {  	s0 =	sadd.s32 @!p0 $0x100000, s0  }
0x29c: {  	[sflag:s0] =	ssyncadd.tile.s32 @!p0 $0x1;
	_ =	shalt  }
.Lfunc_end2:
_tile_overlayer_lowered:
.L_overlay_start_2:
0x29d: {  	(tag) =	ssettag $0x2  }
0x29e: {  	s0 =	rddreg [dreg:$0x0];
	s2 =	stileid.u32  }
0x29f: {  	s1 =	rddreg [dreg:$0x1];
	p0 =	sne.s32 s2, $0x0  }
0x2a0: {  	s3 =	rddreg [dreg:$0x2];
	[bflag:$0x3] =	sbarrier.arrive $0xFFFF;
	s2 =	simm.s32 @!p0 $0x1C06  }
0x2a1: {  	[timem:s3], [sflag:s2] =	dma.local @!p0 [hbm:s0], s1  }
0x2a2: {  	s0 =	simm.s32 @!p0 $0x6  }
0x2a3: {  	_ =	swait.ge @!p0 [sflag:s0], s1  }
0x2a4: {  	s1 =	ssub.s32 @!p0 $0x0, s1;
	[sflag:s0] =	ssyncset.done @!p0 $0x0  }
0x2a5: {  	[sflag:s0] =	ssyncadd.s32 @!p0 s1  }
0x2a6: {  	[bflag:$0x3] =	sbarrier.arrive $0xFFFF  }
0x2a7: {  	_ =	shalt  }

</sc_bundles>
